<compile_context>
chip_gen: v7x
topology: tpu7x:2x2x1
jax: 0.10.2.dev20260603
libtpu: 0.0.44.dev20260713+nightly
codegen_flags: <defaults>
</compile_context>

<pallas_src>
import functools

import jax
import jax.numpy as jnp
from jax import lax
from jax.experimental import pallas as pl
from jax.experimental.pallas import tpu as pltpu
from jax.experimental.pallas import tpu_sc as plsc

B = 10000
NFEAT = 128
NHID = 128
NCLASS = 40
N0 = 10
N1 = 5

R = 400
A = 800
AB = A // R

NW = 32
OUT_F = A * N0 * NFEAT
FPW = OUT_F // NW
CH_ROWS = 25
CH_OUT = CH_ROWS * NFEAT
CH_IN = CH_OUT * N1
NCH = FPW // CH_OUT
assert A % R == 0 and OUT_F % NW == 0 and FPW % CH_OUT == 0
assert NCH % 2 == 0, "ring loop processes chunks in pairs"

_sc_mesh = plsc.VectorSubcoreMesh(core_axis_name="c", subcore_axis_name="s")


@functools.partial(
    pl.kernel,
    mesh=_sc_mesh,
    out_type=jax.ShapeDtypeStruct((OUT_F,), jnp.float32),
    scratch_types=[
        pltpu.VMEM((2, CH_IN), jnp.float32),
        pltpu.VMEM((2, CH_OUT), jnp.float32),
        pltpu.SemaphoreType.DMA,
        pltpu.SemaphoreType.DMA,
        pltpu.SemaphoreType.DMA,
        pltpu.SemaphoreType.DMA,
    ],
)
def _agg2_sc(x2_hbm, out_hbm, in_v, out_v, si0, si1, so0, so1):
    wid = lax.axis_index("s") * 2 + lax.axis_index("c")
    in_base = wid * (FPW * N1)
    out_base = wid * FPW

    def start_in(ci, b, sem):
        pltpu.make_async_copy(
            x2_hbm.at[pl.ds(in_base + ci * CH_IN, CH_IN)], in_v.at[b], sem
        ).start()

    def wait_in(ci, b, sem):
        pltpu.make_async_copy(
            x2_hbm.at[pl.ds(in_base + ci * CH_IN, CH_IN)], in_v.at[b], sem
        ).wait()

    def start_out(ci, b, sem):
        pltpu.make_async_copy(
            out_v.at[b], out_hbm.at[pl.ds(out_base + ci * CH_OUT, CH_OUT)], sem
        ).start()

    def wait_out(ci, b, sem):
        pltpu.make_async_copy(
            out_v.at[b], out_hbm.at[pl.ds(out_base + ci * CH_OUT, CH_OUT)], sem
        ).wait()

    def compute(b):
        def row(rr, c2):
            ib = rr * (N1 * NFEAT)
            ob = rr * NFEAT
            for f in range(NFEAT // 16):
                o = 16 * f
                acc = (in_v[b, pl.ds(ib + o, 16)]
                       + in_v[b, pl.ds(ib + NFEAT + o, 16)]
                       + in_v[b, pl.ds(ib + 2 * NFEAT + o, 16)]
                       + in_v[b, pl.ds(ib + 3 * NFEAT + o, 16)]
                       + in_v[b, pl.ds(ib + 4 * NFEAT + o, 16)])
                out_v[b, pl.ds(ob + o, 16)] = acc * (1.0 / N1)
            return c2

        lax.fori_loop(0, CH_ROWS, row, 0)

    start_in(0, 0, si0)

    def super_step(g, carry):
        c0 = 2 * g
        c1 = 2 * g + 1
        start_in(c1, 1, si1)
        wait_in(c0, 0, si0)

        @pl.when(g > 0)
        def _():
            wait_out(c0 - 2, 0, so0)

        compute(0)
        start_out(c0, 0, so0)

        @pl.when(g + 1 < NCH // 2)
        def _():
            start_in(c0 + 2, 0, si0)

        wait_in(c1, 1, si1)

        @pl.when(g > 0)
        def _():
            wait_out(c1 - 2, 1, so1)

        compute(1)
        start_out(c1, 1, so1)
        return carry

    lax.fori_loop(0, NCH // 2, super_step, 0)
    wait_out(NCH - 2, 0, so0)
    wait_out(NCH - 1, 1, so1)


def _pool10(x):
    return _pool(x, N0, 1.0 / N0)


def _finish(x0b, x1b, agg2, ws0_ref, wn0_ref, b0_ref, ws1_ref, wn1_ref,
            b1_ref, o_ref):
    ws0 = ws0_ref[...]
    wn0 = wn0_ref[...]
    b0 = b0_ref[...]
    h1 = jax.nn.relu(jnp.dot(x1b, ws0, preferred_element_type=jnp.float32)
                     + jnp.dot(agg2, wn0, preferred_element_type=jnp.float32)
                     + b0)
    agg1 = _pool10(x1b)
    aggh = _pool10(h1)
    h0 = jax.nn.relu(jnp.dot(x0b, ws0, preferred_element_type=jnp.float32)
                     + jnp.dot(agg1, wn0, preferred_element_type=jnp.float32)
                     + b0)
    out = (jnp.dot(h0, ws1_ref[...], preferred_element_type=jnp.float32)
           + jnp.dot(aggh, wn1_ref[...], preferred_element_type=jnp.float32)
           + b1_ref[...])
    m = jnp.max(out, axis=1, keepdims=True)
    s = out - m
    lse = jnp.log(jnp.sum(jnp.exp(s), axis=1, keepdims=True))
    o_ref[...] = s - lse


def _pool(x, fan, scale):
    n = x.shape[0]
    gi = 8 * fan
    nb = n // gi
    x3 = x.reshape(nb, gi, NFEAT)
    r8 = jax.lax.broadcasted_iota(jnp.int32, (8, gi), 0)
    cg = jax.lax.broadcasted_iota(jnp.int32, (8, gi), 1)
    P = jnp.where(cg // fan == r8, scale, 0.0)
    Pb = jnp.broadcast_to(P, (nb, 8, gi))
    y = jax.lax.dot_general(Pb, x3, (((2,), (1,)), ((0,), (0,))),
                            preferred_element_type=jnp.float32)
    return y.reshape(n // fan, NFEAT)


def _block_from_x2(x0_ref, x1_ref, x2_ref, ws0_ref, wn0_ref, b0_ref,
                   ws1_ref, wn1_ref, b1_ref, o_ref):
    x2b = x2_ref[...]
    agg2 = _pool(x2b, N1, 1.0 / N1)
    _finish(x0_ref[...], x1_ref[...], agg2, ws0_ref, wn0_ref, b0_ref,
            ws1_ref, wn1_ref, b1_ref, o_ref)


def _block_from_agg2(x0_ref, x1_ref, agg2_ref, ws0_ref, wn0_ref, b0_ref,
                     ws1_ref, wn1_ref, b1_ref, o_ref):
    _finish(x0_ref[...], x1_ref[...], agg2_ref[...], ws0_ref, wn0_ref,
            b0_ref, ws1_ref, wn1_ref, b1_ref, o_ref)


_W_SPECS = [
    pl.BlockSpec((NFEAT, NHID), lambda i: (0, 0)),
    pl.BlockSpec((NFEAT, NHID), lambda i: (0, 0)),
    pl.BlockSpec((1, NHID), lambda i: (0, 0)),
    pl.BlockSpec((NHID, NCLASS), lambda i: (0, 0)),
    pl.BlockSpec((NHID, NCLASS), lambda i: (0, 0)),
    pl.BlockSpec((1, NCLASS), lambda i: (0, 0)),
]


@jax.jit
def _run(x0, x1, x2, x2f, W_self0, W_neigh0, b0, W_self1, W_neigh1, b1):
    weights = (W_self0, W_neigh0, b0, W_self1, W_neigh1, b1)

    agg2_a = _agg2_sc(x2f).reshape(A * N0, NFEAT)

    out_b = pl.pallas_call(
        _block_from_x2,
        grid=((B - A) // R,),
        in_specs=[
            pl.BlockSpec((R, NFEAT), lambda i: (i + AB, 0)),
            pl.BlockSpec((N0 * R, NFEAT), lambda i: (i + AB, 0)),
            pl.BlockSpec((N0 * N1 * R, NFEAT), lambda i: (i + AB, 0)),
        ] + _W_SPECS,
        out_specs=pl.BlockSpec((R, NCLASS), lambda i: (i, 0)),
        out_shape=jax.ShapeDtypeStruct((B - A, NCLASS), jnp.float32),
        compiler_params=pltpu.CompilerParams(
            dimension_semantics=("parallel",),
        ),
    )(x0, x1, x2, *weights)

    out_a = pl.pallas_call(
        _block_from_agg2,
        grid=(A // R,),
        in_specs=[
            pl.BlockSpec((R, NFEAT), lambda i: (i, 0)),
            pl.BlockSpec((N0 * R, NFEAT), lambda i: (i, 0)),
            pl.BlockSpec((N0 * R, NFEAT), lambda i: (i, 0)),
        ] + _W_SPECS,
        out_specs=pl.BlockSpec((R, NCLASS), lambda i: (i, 0)),
        out_shape=jax.ShapeDtypeStruct((A, NCLASS), jnp.float32),
        compiler_params=pltpu.CompilerParams(
            dimension_semantics=("parallel",),
        ),
    )(x0, x1, agg2_a, *weights)

    return jnp.concatenate([out_a, out_b], axis=0)


def kernel(x0, x1, x2, W_self0, W_neigh0, b0, W_self1, W_neigh1, b1):
    return _run(x0, x1, x2, x2.reshape(-1),
                W_self0, W_neigh0, b0.reshape(1, NHID),
                W_self1, W_neigh1, b1.reshape(1, NCLASS))

# --- scband reference (transcript-rebuilt; emitter-appended) ---
"""Pipeline reference for scband-gnn-52664888983659 (READ-ONLY COPY).

The authoritative reference and input builder live on the scoring server;
editing this copy changes nothing except your own understanding.
"""

import jax, jax.numpy as jnp
import numpy as np

B = 10000
NFEAT = 128
NHID = 128
NCLASS = 40
N0 = 10
N1 = 5


def _uniform(key, shape, fan_in):
    s = 1.0 / np.sqrt(fan_in)
    return jax.random.uniform(key, shape, jnp.float32, -s, s)


def setup_inputs(seed: int = 0) -> dict:
    key = jax.random.key(seed)
    ks = jax.random.split(key, 9)
    x0 = jax.random.normal(ks[0], (B, NFEAT), jnp.float32)
    x1 = jax.random.normal(ks[1], (B * N0, NFEAT), jnp.float32)
    x2 = jax.random.normal(ks[2], (B * N0 * N1, NFEAT), jnp.float32)
    # layer 0 (SparseLayer): nfeat -> nhid, GraphSAGE-style self/neigh weights
    W_self0 = _uniform(ks[3], (NFEAT, NHID), NFEAT)
    W_neigh0 = _uniform(ks[4], (NFEAT, NHID), NFEAT)
    b0 = jnp.zeros((NHID,), jnp.float32)
    # layer 1 (DenseLayer): nhid -> nclass
    W_self1 = _uniform(ks[5], (NHID, NCLASS), NHID)
    W_neigh1 = _uniform(ks[6], (NHID, NCLASS), NHID)
    b1 = jnp.zeros((NCLASS,), jnp.float32)
    return {"x0": x0, "x1": x1, "x2": x2,
            "W_self0": W_self0, "W_neigh0": W_neigh0, "b0": b0,
            "W_self1": W_self1, "W_neigh1": W_neigh1, "b1": b1}


def _layer(self_feat, neigh_feat, neigh_num, W_self, W_neigh, b):
    # mean-aggregate fixed-fanout sampled neighbors, then combine with self
    agg = neigh_feat.reshape(self_feat.shape[0], neigh_num, -1).mean(axis=1)
    return self_feat @ W_self + agg @ W_neigh + b


def reference(x0, x1, x2, W_self0, W_neigh0, b0, W_self1, W_neigh1, b1):
    # num_layer = 2; layer_ == 0 is num_layer-2 so relu (+dropout, no-op in eval)
    h0 = jax.nn.relu(_layer(x0, x1, N0, W_self0, W_neigh0, b0))
    h1 = jax.nn.relu(_layer(x1, x2, N1, W_self0, W_neigh0, b0))
    out = _layer(h0, h1, N0, W_self1, W_neigh1, b1)
    return jax.nn.log_softmax(out, axis=1)

if __name__ == "__main__":
    import jax
    _d = setup_inputs()
    print(jax.jit(kernel)(*tuple(_d.values())))

</pallas_src>

<mosaic_0001>
#map = affine_map<(d0, d1) -> (0)>
module attributes {stable_mosaic.version = 14 : i64} {
  func.func @_agg2_sc(%arg0: i32, %arg1: i32, %arg2: memref<64000000xf32, #tpu.memory_space<hbm>>, %arg3: memref<1024000xf32, #tpu.memory_space<hbm>>, %arg4: memref<2x16000xf32, #tpu.memory_space<vmem>>, %arg5: memref<2x3200xf32, #tpu.memory_space<vmem>>, %arg6: memref<!tpu.dma_semaphore, #tpu.memory_space<semaphore_mem>>, %arg7: memref<!tpu.dma_semaphore, #tpu.memory_space<semaphore_mem>>, %arg8: memref<!tpu.dma_semaphore, #tpu.memory_space<semaphore_mem>>, %arg9: memref<!tpu.dma_semaphore, #tpu.memory_space<semaphore_mem>>) attributes {dimension_semantics = [#tpu.dimension_semantics<core_parallel>, #tpu.dimension_semantics<subcore_parallel>], iteration_bounds = array<i64: 2, 16>, scalar_prefetch = 0 : i64, scratch_operands = 6 : i64, tpu.core_type = #tpu.core_type<sc_vector_subcore>, window_params = [{transform_indices = #map}, {transform_indices = #map}]} {
    %mul3A = arith.constant 2 : i32
    %mul3A_0 = arith.muli %arg1, %mul3A : i32
    %add3A = arith.addi %mul3A_0, %arg0 : i32
    %mul3A_1 = arith.constant 160000 : i32
    %mul3A_2 = arith.muli %add3A, %mul3A_1 : i32
    %mul3A_3 = arith.constant 32000 : i32
    %mul3A_4 = arith.muli %add3A, %mul3A_3 : i32
    %add3A_5 = arith.constant 0 : i32
    %add3A_6 = arith.addi %mul3A_2, %add3A_5 : i32
    %dma_start3A = arith.constant 0 : i32
    %dma_start3A_7 = arith.constant 0 : i32
    %dma_start3A_8 = tpu.memref_slice %arg4[%dma_start3A, %dma_start3A_7] : memref<2x16000xf32, #tpu.memory_space<vmem>> -> memref<1x16000xf32, #tpu.memory_space<vmem>>
    %dma_start3A_9 = tpu.memref_squeeze %dma_start3A_8 : memref<1x16000xf32, #tpu.memory_space<vmem>> -> memref<16000xf32, #tpu.memory_space<vmem>>
    %dma_start3A_10 = tpu.memref_slice %arg2[%add3A_6] : memref<64000000xf32, #tpu.memory_space<hbm>> -> memref<16000xf32, #tpu.memory_space<hbm>>
    %dma_start3A_11 = arith.constant 0 : i32
    %dma_start3A_12 = tpu.memref_slice %arg4[%dma_start3A, %dma_start3A_11] : memref<2x16000xf32, #tpu.memory_space<vmem>> -> memref<1x16000xf32, #tpu.memory_space<vmem>>
    %dma_start3A_13 = tpu.memref_squeeze %dma_start3A_12 : memref<1x16000xf32, #tpu.memory_space<vmem>> -> memref<16000xf32, #tpu.memory_space<vmem>>
    %dma_start3A_14 = tpu.memref_slice %arg2[%add3A_6] : memref<64000000xf32, #tpu.memory_space<hbm>> -> memref<16000xf32, #tpu.memory_space<hbm>>
    tpu.enqueue_dma source(%dma_start3A_14 : memref<16000xf32, #tpu.memory_space<hbm>>) target(%dma_start3A_13 : memref<16000xf32, #tpu.memory_space<vmem>>) target_semaphore(%arg6 : memref<!tpu.dma_semaphore, #tpu.memory_space<semaphore_mem>>)
    %scan3A = arith.constant 0 : i32
    %scan3A_15 = arith.constant 0 : i32
    %scan3A_16 = arith.constant 5 : i32
    %scan3A_17 = arith.addi %scan3A_15, %scan3A_16 : i32
    %scan3A_18 = arith.constant 1 : i32
    scf.for %scan3A_41 = %scan3A_15 to %scan3A_17 step %scan3A_18  : i32 {
      %mul3A_42 = arith.constant 2 : i32
      %mul3A_43 = arith.muli %mul3A_42, %scan3A_41 : i32
      %mul3A_44 = arith.constant 2 : i32
      %mul3A_45 = arith.muli %mul3A_44, %scan3A_41 : i32
      %add3A_46 = arith.constant 1 : i32
      %add3A_47 = arith.addi %mul3A_45, %add3A_46 : i32
      %mul3A_48 = arith.constant 16000 : i32
      %mul3A_49 = arith.muli %add3A_47, %mul3A_48 : i32
      %add3A_50 = arith.addi %mul3A_2, %mul3A_49 : i32
      %dma_start3A_51 = arith.constant 1 : i32
      %dma_start3A_52 = arith.constant 0 : i32
      %dma_start3A_53 = tpu.memref_slice %arg4[%dma_start3A_51, %dma_start3A_52] : memref<2x16000xf32, #tpu.memory_space<vmem>> -> memref<1x16000xf32, #tpu.memory_space<vmem>>
      %dma_start3A_54 = tpu.memref_squeeze %dma_start3A_53 : memref<1x16000xf32, #tpu.memory_space<vmem>> -> memref<16000xf32, #tpu.memory_space<vmem>>
      %dma_start3A_55 = tpu.memref_slice %arg2[%add3A_50] : memref<64000000xf32, #tpu.memory_space<hbm>> -> memref<16000xf32, #tpu.memory_space<hbm>>
      %dma_start3A_56 = arith.constant 0 : i32
      %dma_start3A_57 = tpu.memref_slice %arg4[%dma_start3A_51, %dma_start3A_56] : memref<2x16000xf32, #tpu.memory_space<vmem>> -> memref<1x16000xf32, #tpu.memory_space<vmem>>
      %dma_start3A_58 = tpu.memref_squeeze %dma_start3A_57 : memref<1x16000xf32, #tpu.memory_space<vmem>> -> memref<16000xf32, #tpu.memory_space<vmem>>
      %dma_start3A_59 = tpu.memref_slice %arg2[%add3A_50] : memref<64000000xf32, #tpu.memory_space<hbm>> -> memref<16000xf32, #tpu.memory_space<hbm>>
      tpu.enqueue_dma source(%dma_start3A_59 : memref<16000xf32, #tpu.memory_space<hbm>>) target(%dma_start3A_58 : memref<16000xf32, #tpu.memory_space<vmem>>) target_semaphore(%arg7 : memref<!tpu.dma_semaphore, #tpu.memory_space<semaphore_mem>>)
      %mul3A_60 = arith.constant 16000 : i32
      %mul3A_61 = arith.muli %mul3A_43, %mul3A_60 : i32
      %add3A_62 = arith.addi %mul3A_2, %mul3A_61 : i32
      %dma_wait3A_63 = arith.constant 0 : i32
      %dma_wait3A_64 = arith.constant 0 : i32
      %dma_wait3A_65 = tpu.memref_slice %arg4[%dma_wait3A_63, %dma_wait3A_64] : memref<2x16000xf32, #tpu.memory_space<vmem>> -> memref<1x16000xf32, #tpu.memory_space<vmem>>
      %dma_wait3A_66 = tpu.memref_squeeze %dma_wait3A_65 : memref<1x16000xf32, #tpu.memory_space<vmem>> -> memref<16000xf32, #tpu.memory_space<vmem>>
      %dma_wait3A_67 = tpu.memref_slice %arg2[%add3A_62] : memref<64000000xf32, #tpu.memory_space<hbm>> -> memref<16000xf32, #tpu.memory_space<hbm>>
      %dma_wait3A_68 = arith.constant 0 : i32
      %dma_wait3A_69 = tpu.memref_slice %arg4[%dma_wait3A_63, %dma_wait3A_68] : memref<2x16000xf32, #tpu.memory_space<vmem>> -> memref<1x16000xf32, #tpu.memory_space<vmem>>
      %dma_wait3A_70 = tpu.memref_squeeze %dma_wait3A_69 : memref<1x16000xf32, #tpu.memory_space<vmem>> -> memref<16000xf32, #tpu.memory_space<vmem>>
      %dma_wait3A_71 = tpu.memref_slice %arg2[%add3A_62] : memref<64000000xf32, #tpu.memory_space<hbm>> -> memref<16000xf32, #tpu.memory_space<hbm>>
      tpu.wait_dma2 semaphore(%arg6 : memref<!tpu.dma_semaphore, #tpu.memory_space<semaphore_mem>>) src(%dma_wait3A_71 : memref<16000xf32, #tpu.memory_space<hbm>>) dst(%dma_wait3A_70 : memref<16000xf32, #tpu.memory_space<vmem>>)
      %gt3A = arith.constant 0 : i32
      %gt3A_72 = arith.cmpi sgt, %scan3A_41, %gt3A : i32
      %convert_element_type3A = arith.extui %gt3A_72 : i1 to i32
      %cond3A = arith.constant 0 : i32
      %cond3A_73 = arith.cmpi ne, %convert_element_type3A, %cond3A : i32
      scf.if %cond3A_73 {
        %sub3A = arith.constant 2 : i32
        %sub3A_133 = arith.subi %mul3A_43, %sub3A : i32
        %mul3A_134 = arith.constant 3200 : i32
        %mul3A_135 = arith.muli %sub3A_133, %mul3A_134 : i32
        %add3A_136 = arith.addi %mul3A_4, %mul3A_135 : i32
        %dma_wait3A_137 = arith.constant 0 : i32
        %dma_wait3A_138 = arith.constant 0 : i32
        %dma_wait3A_139 = tpu.memref_slice %arg5[%dma_wait3A_137, %dma_wait3A_138] : memref<2x3200xf32, #tpu.memory_space<vmem>> -> memref<1x3200xf32, #tpu.memory_space<vmem>>
        %dma_wait3A_140 = tpu.memref_squeeze %dma_wait3A_139 : memref<1x3200xf32, #tpu.memory_space<vmem>> -> memref<3200xf32, #tpu.memory_space<vmem>>
        %dma_wait3A_141 = tpu.memref_slice %arg3[%add3A_136] : memref<1024000xf32, #tpu.memory_space<hbm>> -> memref<3200xf32, #tpu.memory_space<hbm>>
        %dma_wait3A_142 = tpu.memref_slice %arg3[%add3A_136] : memref<1024000xf32, #tpu.memory_space<hbm>> -> memref<3200xf32, #tpu.memory_space<hbm>>
        %dma_wait3A_143 = arith.constant 0 : i32
        %dma_wait3A_144 = tpu.memref_slice %arg5[%dma_wait3A_137, %dma_wait3A_143] : memref<2x3200xf32, #tpu.memory_space<vmem>> -> memref<1x3200xf32, #tpu.memory_space<vmem>>
        %dma_wait3A_145 = tpu.memref_squeeze %dma_wait3A_144 : memref<1x3200xf32, #tpu.memory_space<vmem>> -> memref<3200xf32, #tpu.memory_space<vmem>>
        tpu.wait_dma2 semaphore(%arg8 : memref<!tpu.dma_semaphore, #tpu.memory_space<semaphore_mem>>) src(%dma_wait3A_145 : memref<3200xf32, #tpu.memory_space<vmem>>) dst(%dma_wait3A_142 : memref<3200xf32, #tpu.memory_space<hbm>>)
      } else {
      }
      %scan3A_74 = arith.constant 0 : i32
      %scan3A_75 = arith.constant 0 : i32
      %scan3A_76 = arith.constant 25 : i32
      %scan3A_77 = arith.addi %scan3A_75, %scan3A_76 : i32
      %scan3A_78 = arith.constant 1 : i32
      scf.for %scan3A_133 = %scan3A_75 to %scan3A_77 step %scan3A_78  : i32 {
        %mul3A_134 = arith.constant 640 : i32
        %mul3A_135 = arith.muli %scan3A_133, %mul3A_134 : i32
        %mul3A_136 = arith.constant 128 : i32
        %mul3A_137 = arith.muli %scan3A_133, %mul3A_136 : i32
        %add3A_138 = arith.constant 0 : i32
        %add3A_139 = arith.addi %mul3A_135, %add3A_138 : i32
        %get3A = arith.constant 0 : i32
        %get3A_140 = arith.index_cast %get3A : i32 to index
        %get3A_141 = arith.index_cast %add3A_139 : i32 to index
        %get3A_142 = tpu.vector_load %arg4[%get3A_140, %get3A_141] {strides = array<i32>} : memref<2x16000xf32, #tpu.memory_space<vmem>>, vector<1x16xf32>,
        %get3A_143 = vector.shape_cast %get3A_142 : vector<1x16xf32> to vector<16xf32>
        %add3A_144 = arith.constant 128 : i32
        %add3A_145 = arith.addi %mul3A_135, %add3A_144 : i32
        %add3A_146 = arith.constant 0 : i32
        %add3A_147 = arith.addi %add3A_145, %add3A_146 : i32
        %get3A_148 = arith.constant 0 : i32
        %get3A_149 = arith.index_cast %get3A_148 : i32 to index
        %get3A_150 = arith.index_cast %add3A_147 : i32 to index
        %get3A_151 = tpu.vector_load %arg4[%get3A_149, %get3A_150] {strides = array<i32>} : memref<2x16000xf32, #tpu.memory_space<vmem>>, vector<1x16xf32>,
        %get3A_152 = vector.shape_cast %get3A_151 : vector<1x16xf32> to vector<16xf32>
        %add3A_153 = arith.addf %get3A_143, %get3A_152 : vector<16xf32>
        %add3A_154 = arith.constant 256 : i32
        %add3A_155 = arith.addi %mul3A_135, %add3A_154 : i32
        %add3A_156 = arith.constant 0 : i32
        %add3A_157 = arith.addi %add3A_155, %add3A_156 : i32
        %get3A_158 = arith.constant 0 : i32
        %get3A_159 = arith.index_cast %get3A_158 : i32 to index
        %get3A_160 = arith.index_cast %add3A_157 : i32 to index
        %get3A_161 = tpu.vector_load %arg4[%get3A_159, %get3A_160] {strides = array<i32>} : memref<2x16000xf32, #tpu.memory_space<vmem>>, vector<1x16xf32>,
        %get3A_162 = vector.shape_cast %get3A_161 : vector<1x16xf32> to vector<16xf32>
        %add3A_163 = arith.addf %add3A_153, %get3A_162 : vector<16xf32>
        %add3A_164 = arith.constant 384 : i32
        %add3A_165 = arith.addi %mul3A_135, %add3A_164 : i32
        %add3A_166 = arith.constant 0 : i32
        %add3A_167 = arith.addi %add3A_165, %add3A_166 : i32
        %get3A_168 = arith.constant 0 : i32
        %get3A_169 = arith.index_cast %get3A_168 : i32 to index
        %get3A_170 = arith.index_cast %add3A_167 : i32 to index
        %get3A_171 = tpu.vector_load %arg4[%get3A_169, %get3A_170] {strides = array<i32>} : memref<2x16000xf32, #tpu.memory_space<vmem>>, vector<1x16xf32>,
        %get3A_172 = vector.shape_cast %get3A_171 : vector<1x16xf32> to vector<16xf32>
        %add3A_173 = arith.addf %add3A_163, %get3A_172 : vector<16xf32>
        %add3A_174 = arith.constant 512 : i32
        %add3A_175 = arith.addi %mul3A_135, %add3A_174 : i32
        %add3A_176 = arith.constant 0 : i32
        %add3A_177 = arith.addi %add3A_175, %add3A_176 : i32
        %get3A_178 = arith.constant 0 : i32
        %get3A_179 = arith.index_cast %get3A_178 : i32 to index
        %get3A_180 = arith.index_cast %add3A_177 : i32 to index
        %get3A_181 = tpu.vector_load %arg4[%get3A_179, %get3A_180] {strides = array<i32>} : memref<2x16000xf32, #tpu.memory_space<vmem>>, vector<1x16xf32>,
        %get3A_182 = vector.shape_cast %get3A_181 : vector<1x16xf32> to vector<16xf32>
        %add3A_183 = arith.addf %add3A_173, %get3A_182 : vector<16xf32>
        %mul3A_184 = arith.constant 2.000000e-01 : f32
        %mul3A_185 = vector.broadcast %mul3A_184 : f32 to vector<16xf32>
        %mul3A_186 = arith.mulf %add3A_183, %mul3A_185 : vector<16xf32>
        %add3A_187 = arith.constant 0 : i32
        %add3A_188 = arith.addi %mul3A_137, %add3A_187 : i32
        %swap3A = arith.constant 0 : i32
        %swap3A_189 = arith.index_cast %swap3A : i32 to index
        %swap3A_190 = arith.index_cast %add3A_188 : i32 to index
        %swap3A_191 = tpu.vector_load %arg5[%swap3A_189, %swap3A_190] {strides = array<i32>} : memref<2x3200xf32, #tpu.memory_space<vmem>>, vector<1x16xf32>,
        %swap3A_192 = vector.shape_cast %swap3A_191 : vector<1x16xf32> to vector<16xf32>
        %swap3A_193 = vector.shape_cast %mul3A_186 : vector<16xf32> to vector<1x16xf32>
        tpu.vector_store %arg5[%swap3A_189, %swap3A_190], %swap3A_193 {strides = array<i32>} : memref<2x3200xf32, #tpu.memory_space<vmem>>, vector<1x16xf32>,
        %add3A_194 = arith.constant 16 : i32
        %add3A_195 = arith.addi %mul3A_135, %add3A_194 : i32
        %get3A_196 = arith.constant 0 : i32
        %get3A_197 = arith.index_cast %get3A_196 : i32 to index
        %get3A_198 = arith.index_cast %add3A_195 : i32 to index
        %get3A_199 = tpu.vector_load %arg4[%get3A_197, %get3A_198] {strides = array<i32>} : memref<2x16000xf32, #tpu.memory_space<vmem>>, vector<1x16xf32>,
        %get3A_200 = vector.shape_cast %get3A_199 : vector<1x16xf32> to vector<16xf32>
        %add3A_201 = arith.constant 128 : i32
        %add3A_202 = arith.addi %mul3A_135, %add3A_201 : i32
        %add3A_203 = arith.constant 16 : i32
        %add3A_204 = arith.addi %add3A_202, %add3A_203 : i32
        %get3A_205 = arith.constant 0 : i32
        %get3A_206 = arith.index_cast %get3A_205 : i32 to index
        %get3A_207 = arith.index_cast %add3A_204 : i32 to index
        %get3A_208 = tpu.vector_load %arg4[%get3A_206, %get3A_207] {strides = array<i32>} : memref<2x16000xf32, #tpu.memory_space<vmem>>, vector<1x16xf32>,
        %get3A_209 = vector.shape_cast %get3A_208 : vector<1x16xf32> to vector<16xf32>
        %add3A_210 = arith.addf %get3A_200, %get3A_209 : vector<16xf32>
        %add3A_211 = arith.constant 256 : i32
        %add3A_212 = arith.addi %mul3A_135, %add3A_211 : i32
        %add3A_213 = arith.constant 16 : i32
        %add3A_214 = arith.addi %add3A_212, %add3A_213 : i32
        %get3A_215 = arith.constant 0 : i32
        %get3A_216 = arith.index_cast %get3A_215 : i32 to index
        %get3A_217 = arith.index_cast %add3A_214 : i32 to index
        %get3A_218 = tpu.vector_load %arg4[%get3A_216, %get3A_217] {strides = array<i32>} : memref<2x16000xf32, #tpu.memory_space<vmem>>, vector<1x16xf32>,
        %get3A_219 = vector.shape_cast %get3A_218 : vector<1x16xf32> to vector<16xf32>
        %add3A_220 = arith.addf %add3A_210, %get3A_219 : vector<16xf32>
        %add3A_221 = arith.constant 384 : i32
        %add3A_222 = arith.addi %mul3A_135, %add3A_221 : i32
        %add3A_223 = arith.constant 16 : i32
        %add3A_224 = arith.addi %add3A_222, %add3A_223 : i32
        %get3A_225 = arith.constant 0 : i32
        %get3A_226 = arith.index_cast %get3A_225 : i32 to index
        %get3A_227 = arith.index_cast %add3A_224 : i32 to index
        %get3A_228 = tpu.vector_load %arg4[%get3A_226, %get3A_227] {strides = array<i32>} : memref<2x16000xf32, #tpu.memory_space<vmem>>, vector<1x16xf32>,
        %get3A_229 = vector.shape_cast %get3A_228 : vector<1x16xf32> to vector<16xf32>
        %add3A_230 = arith.addf %add3A_220, %get3A_229 : vector<16xf32>
        %add3A_231 = arith.constant 512 : i32
        %add3A_232 = arith.addi %mul3A_135, %add3A_231 : i32
        %add3A_233 = arith.constant 16 : i32
        %add3A_234 = arith.addi %add3A_232, %add3A_233 : i32
        %get3A_235 = arith.constant 0 : i32
        %get3A_236 = arith.index_cast %get3A_235 : i32 to index
        %get3A_237 = arith.index_cast %add3A_234 : i32 to index
        %get3A_238 = tpu.vector_load %arg4[%get3A_236, %get3A_237] {strides = array<i32>} : memref<2x16000xf32, #tpu.memory_space<vmem>>, vector<1x16xf32>,
        %get3A_239 = vector.shape_cast %get3A_238 : vector<1x16xf32> to vector<16xf32>
        %add3A_240 = arith.addf %add3A_230, %get3A_239 : vector<16xf32>
        %mul3A_241 = arith.constant 2.000000e-01 : f32
        %mul3A_242 = vector.broadcast %mul3A_241 : f32 to vector<16xf32>
        %mul3A_243 = arith.mulf %add3A_240, %mul3A_242 : vector<16xf32>
        %add3A_244 = arith.constant 16 : i32
        %add3A_245 = arith.addi %mul3A_137, %add3A_244 : i32
        %swap3A_246 = arith.constant 0 : i32
        %swap3A_247 = arith.index_cast %swap3A_246 : i32 to index
        %swap3A_248 = arith.index_cast %add3A_245 : i32 to index
        %swap3A_249 = tpu.vector_load %arg5[%swap3A_247, %swap3A_248] {strides = array<i32>} : memref<2x3200xf32, #tpu.memory_space<vmem>>, vector<1x16xf32>,
        %swap3A_250 = vector.shape_cast %swap3A_249 : vector<1x16xf32> to vector<16xf32>
        %swap3A_251 = vector.shape_cast %mul3A_243 : vector<16xf32> to vector<1x16xf32>
        tpu.vector_store %arg5[%swap3A_247, %swap3A_248], %swap3A_251 {strides = array<i32>} : memref<2x3200xf32, #tpu.memory_space<vmem>>, vector<1x16xf32>,
        %add3A_252 = arith.constant 32 : i32
        %add3A_253 = arith.addi %mul3A_135, %add3A_252 : i32
        %get3A_254 = arith.constant 0 : i32
        %get3A_255 = arith.index_cast %get3A_254 : i32 to index
        %get3A_256 = arith.index_cast %add3A_253 : i32 to index
        %get3A_257 = tpu.vector_load %arg4[%get3A_255, %get3A_256] {strides = array<i32>} : memref<2x16000xf32, #tpu.memory_space<vmem>>, vector<1x16xf32>,
        %get3A_258 = vector.shape_cast %get3A_257 : vector<1x16xf32> to vector<16xf32>
        %add3A_259 = arith.constant 128 : i32
        %add3A_260 = arith.addi %mul3A_135, %add3A_259 : i32
        %add3A_261 = arith.constant 32 : i32
        %add3A_262 = arith.addi %add3A_260, %add3A_261 : i32
        %get3A_263 = arith.constant 0 : i32
        %get3A_264 = arith.index_cast %get3A_263 : i32 to index
        %get3A_265 = arith.index_cast %add3A_262 : i32 to index
        %get3A_266 = tpu.vector_load %arg4[%get3A_264, %get3A_265] {strides = array<i32>} : memref<2x16000xf32, #tpu.memory_space<vmem>>, vector<1x16xf32>,
        %get3A_267 = vector.shape_cast %get3A_266 : vector<1x16xf32> to vector<16xf32>
        %add3A_268 = arith.addf %get3A_258, %get3A_267 : vector<16xf32>
        %add3A_269 = arith.constant 256 : i32
        %add3A_270 = arith.addi %mul3A_135, %add3A_269 : i32
        %add3A_271 = arith.constant 32 : i32
        %add3A_272 = arith.addi %add3A_270, %add3A_271 : i32
        %get3A_273 = arith.constant 0 : i32
        %get3A_274 = arith.index_cast %get3A_273 : i32 to index
        %get3A_275 = arith.index_cast %add3A_272 : i32 to index
        %get3A_276 = tpu.vector_load %arg4[%get3A_274, %get3A_275] {strides = array<i32>} : memref<2x16000xf32, #tpu.memory_space<vmem>>, vector<1x16xf32>,
        %get3A_277 = vector.shape_cast %get3A_276 : vector<1x16xf32> to vector<16xf32>
        %add3A_278 = arith.addf %add3A_268, %get3A_277 : vector<16xf32>
        %add3A_279 = arith.constant 384 : i32
        %add3A_280 = arith.addi %mul3A_135, %add3A_279 : i32
        %add3A_281 = arith.constant 32 : i32
        %add3A_282 = arith.addi %add3A_280, %add3A_281 : i32
        %get3A_283 = arith.constant 0 : i32
        %get3A_284 = arith.index_cast %get3A_283 : i32 to index
        %get3A_285 = arith.index_cast %add3A_282 : i32 to index
        %get3A_286 = tpu.vector_load %arg4[%get3A_284, %get3A_285] {strides = array<i32>} : memref<2x16000xf32, #tpu.memory_space<vmem>>, vector<1x16xf32>,
        %get3A_287 = vector.shape_cast %get3A_286 : vector<1x16xf32> to vector<16xf32>
        %add3A_288 = arith.addf %add3A_278, %get3A_287 : vector<16xf32>
        %add3A_289 = arith.constant 512 : i32
        %add3A_290 = arith.addi %mul3A_135, %add3A_289 : i32
        %add3A_291 = arith.constant 32 : i32
        %add3A_292 = arith.addi %add3A_290, %add3A_291 : i32
        %get3A_293 = arith.constant 0 : i32
        %get3A_294 = arith.index_cast %get3A_293 : i32 to index
        %get3A_295 = arith.index_cast %add3A_292 : i32 to index
        %get3A_296 = tpu.vector_load %arg4[%get3A_294, %get3A_295] {strides = array<i32>} : memref<2x16000xf32, #tpu.memory_space<vmem>>, vector<1x16xf32>,
        %get3A_297 = vector.shape_cast %get3A_296 : vector<1x16xf32> to vector<16xf32>
        %add3A_298 = arith.addf %add3A_288, %get3A_297 : vector<16xf32>
        %mul3A_299 = arith.constant 2.000000e-01 : f32
        %mul3A_300 = vector.broadcast %mul3A_299 : f32 to vector<16xf32>
        %mul3A_301 = arith.mulf %add3A_298, %mul3A_300 : vector<16xf32>
        %add3A_302 = arith.constant 32 : i32
        %add3A_303 = arith.addi %mul3A_137, %add3A_302 : i32
        %swap3A_304 = arith.constant 0 : i32
        %swap3A_305 = arith.index_cast %swap3A_304 : i32 to index
        %swap3A_306 = arith.index_cast %add3A_303 : i32 to index
        %swap3A_307 = tpu.vector_load %arg5[%swap3A_305, %swap3A_306] {strides = array<i32>} : memref<2x3200xf32, #tpu.memory_space<vmem>>, vector<1x16xf32>,
        %swap3A_308 = vector.shape_cast %swap3A_307 : vector<1x16xf32> to vector<16xf32>
        %swap3A_309 = vector.shape_cast %mul3A_301 : vector<16xf32> to vector<1x16xf32>
        tpu.vector_store %arg5[%swap3A_305, %swap3A_306], %swap3A_309 {strides = array<i32>} : memref<2x3200xf32, #tpu.memory_space<vmem>>, vector<1x16xf32>,
        %add3A_310 = arith.constant 48 : i32
        %add3A_311 = arith.addi %mul3A_135, %add3A_310 : i32
        %get3A_312 = arith.constant 0 : i32
        %get3A_313 = arith.index_cast %get3A_312 : i32 to index
        %get3A_314 = arith.index_cast %add3A_311 : i32 to index
        %get3A_315 = tpu.vector_load %arg4[%get3A_313, %get3A_314] {strides = array<i32>} : memref<2x16000xf32, #tpu.memory_space<vmem>>, vector<1x16xf32>,
        %get3A_316 = vector.shape_cast %get3A_315 : vector<1x16xf32> to vector<16xf32>
        %add3A_317 = arith.constant 128 : i32
        %add3A_318 = arith.addi %mul3A_135, %add3A_317 : i32
        %add3A_319 = arith.constant 48 : i32
        %add3A_320 = arith.addi %add3A_318, %add3A_319 : i32
        %get3A_321 = arith.constant 0 : i32
        %get3A_322 = arith.index_cast %get3A_321 : i32 to index
        %get3A_323 = arith.index_cast %add3A_320 : i32 to index
        %get3A_324 = tpu.vector_load %arg4[%get3A_322, %get3A_323] {strides = array<i32>} : memref<2x16000xf32, #tpu.memory_space<vmem>>, vector<1x16xf32>,
        %get3A_325 = vector.shape_cast %get3A_324 : vector<1x16xf32> to vector<16xf32>
        %add3A_326 = arith.addf %get3A_316, %get3A_325 : vector<16xf32>
        %add3A_327 = arith.constant 256 : i32
        %add3A_328 = arith.addi %mul3A_135, %add3A_327 : i32
        %add3A_329 = arith.constant 48 : i32
        %add3A_330 = arith.addi %add3A_328, %add3A_329 : i32
        %get3A_331 = arith.constant 0 : i32
        %get3A_332 = arith.index_cast %get3A_331 : i32 to index
        %get3A_333 = arith.index_cast %add3A_330 : i32 to index
        %get3A_334 = tpu.vector_load %arg4[%get3A_332, %get3A_333] {strides = array<i32>} : memref<2x16000xf32, #tpu.memory_space<vmem>>, vector<1x16xf32>,
        %get3A_335 = vector.shape_cast %get3A_334 : vector<1x16xf32> to vector<16xf32>
        %add3A_336 = arith.addf %add3A_326, %get3A_335 : vector<16xf32>
        %add3A_337 = arith.constant 384 : i32
        %add3A_338 = arith.addi %mul3A_135, %add3A_337 : i32
        %add3A_339 = arith.constant 48 : i32
        %add3A_340 = arith.addi %add3A_338, %add3A_339 : i32
        %get3A_341 = arith.constant 0 : i32
        %get3A_342 = arith.index_cast %get3A_341 : i32 to index
        %get3A_343 = arith.index_cast %add3A_340 : i32 to index
        %get3A_344 = tpu.vector_load %arg4[%get3A_342, %get3A_343] {strides = array<i32>} : memref<2x16000xf32, #tpu.memory_space<vmem>>, vector<1x16xf32>,
        %get3A_345 = vector.shape_cast %get3A_344 : vector<1x16xf32> to vector<16xf32>
        %add3A_346 = arith.addf %add3A_336, %get3A_345 : vector<16xf32>
        %add3A_347 = arith.constant 512 : i32
        %add3A_348 = arith.addi %mul3A_135, %add3A_347 : i32
        %add3A_349 = arith.constant 48 : i32
        %add3A_350 = arith.addi %add3A_348, %add3A_349 : i32
        %get3A_351 = arith.constant 0 : i32
        %get3A_352 = arith.index_cast %get3A_351 : i32 to index
        %get3A_353 = arith.index_cast %add3A_350 : i32 to index
        %get3A_354 = tpu.vector_load %arg4[%get3A_352, %get3A_353] {strides = array<i32>} : memref<2x16000xf32, #tpu.memory_space<vmem>>, vector<1x16xf32>,
        %get3A_355 = vector.shape_cast %get3A_354 : vector<1x16xf32> to vector<16xf32>
        %add3A_356 = arith.addf %add3A_346, %get3A_355 : vector<16xf32>
        %mul3A_357 = arith.constant 2.000000e-01 : f32
        %mul3A_358 = vector.broadcast %mul3A_357 : f32 to vector<16xf32>
        %mul3A_359 = arith.mulf %add3A_356, %mul3A_358 : vector<16xf32>
        %add3A_360 = arith.constant 48 : i32
        %add3A_361 = arith.addi %mul3A_137, %add3A_360 : i32
        %swap3A_362 = arith.constant 0 : i32
        %swap3A_363 = arith.index_cast %swap3A_362 : i32 to index
        %swap3A_364 = arith.index_cast %add3A_361 : i32 to index
        %swap3A_365 = tpu.vector_load %arg5[%swap3A_363, %swap3A_364] {strides = array<i32>} : memref<2x3200xf32, #tpu.memory_space<vmem>>, vector<1x16xf32>,
        %swap3A_366 = vector.shape_cast %swap3A_365 : vector<1x16xf32> to vector<16xf32>
        %swap3A_367 = vector.shape_cast %mul3A_359 : vector<16xf32> to vector<1x16xf32>
        tpu.vector_store %arg5[%swap3A_363, %swap3A_364], %swap3A_367 {strides = array<i32>} : memref<2x3200xf32, #tpu.memory_space<vmem>>, vector<1x16xf32>,
        %add3A_368 = arith.constant 64 : i32
        %add3A_369 = arith.addi %mul3A_135, %add3A_368 : i32
        %get3A_370 = arith.constant 0 : i32
        %get3A_371 = arith.index_cast %get3A_370 : i32 to index
        %get3A_372 = arith.index_cast %add3A_369 : i32 to index
        %get3A_373 = tpu.vector_load %arg4[%get3A_371, %get3A_372] {strides = array<i32>} : memref<2x16000xf32, #tpu.memory_space<vmem>>, vector<1x16xf32>,
        %get3A_374 = vector.shape_cast %get3A_373 : vector<1x16xf32> to vector<16xf32>
        %add3A_375 = arith.constant 128 : i32
        %add3A_376 = arith.addi %mul3A_135, %add3A_375 : i32
        %add3A_377 = arith.constant 64 : i32
        %add3A_378 = arith.addi %add3A_376, %add3A_377 : i32
        %get3A_379 = arith.constant 0 : i32
        %get3A_380 = arith.index_cast %get3A_379 : i32 to index
        %get3A_381 = arith.index_cast %add3A_378 : i32 to index
        %get3A_382 = tpu.vector_load %arg4[%get3A_380, %get3A_381] {strides = array<i32>} : memref<2x16000xf32, #tpu.memory_space<vmem>>, vector<1x16xf32>,
        %get3A_383 = vector.shape_cast %get3A_382 : vector<1x16xf32> to vector<16xf32>
        %add3A_384 = arith.addf %get3A_374, %get3A_383 : vector<16xf32>
        %add3A_385 = arith.constant 256 : i32
        %add3A_386 = arith.addi %mul3A_135, %add3A_385 : i32
        %add3A_387 = arith.constant 64 : i32
        %add3A_388 = arith.addi %add3A_386, %add3A_387 : i32
        %get3A_389 = arith.constant 0 : i32
        %get3A_390 = arith.index_cast %get3A_389 : i32 to index
        %get3A_391 = arith.index_cast %add3A_388 : i32 to index
        %get3A_392 = tpu.vector_load %arg4[%get3A_390, %get3A_391] {strides = array<i32>} : memref<2x16000xf32, #tpu.memory_space<vmem>>, vector<1x16xf32>,
        %get3A_393 = vector.shape_cast %get3A_392 : vector<1x16xf32> to vector<16xf32>
        %add3A_394 = arith.addf %add3A_384, %get3A_393 : vector<16xf32>
        %add3A_395 = arith.constant 384 : i32
        %add3A_396 = arith.addi %mul3A_135, %add3A_395 : i32
        %add3A_397 = arith.constant 64 : i32
        %add3A_398 = arith.addi %add3A_396, %add3A_397 : i32
        %get3A_399 = arith.constant 0 : i32
        %get3A_400 = arith.index_cast %get3A_399 : i32 to index
        %get3A_401 = arith.index_cast %add3A_398 : i32 to index
        %get3A_402 = tpu.vector_load %arg4[%get3A_400, %get3A_401] {strides = array<i32>} : memref<2x16000xf32, #tpu.memory_space<vmem>>, vector<1x16xf32>,
        %get3A_403 = vector.shape_cast %get3A_402 : vector<1x16xf32> to vector<16xf32>
        %add3A_404 = arith.addf %add3A_394, %get3A_403 : vector<16xf32>
        %add3A_405 = arith.constant 512 : i32
        %add3A_406 = arith.addi %mul3A_135, %add3A_405 : i32
        %add3A_407 = arith.constant 64 : i32
        %add3A_408 = arith.addi %add3A_406, %add3A_407 : i32
        %get3A_409 = arith.constant 0 : i32
        %get3A_410 = arith.index_cast %get3A_409 : i32 to index
        %get3A_411 = arith.index_cast %add3A_408 : i32 to index
        %get3A_412 = tpu.vector_load %arg4[%get3A_410, %get3A_411] {strides = array<i32>} : memref<2x16000xf32, #tpu.memory_space<vmem>>, vector<1x16xf32>,
        %get3A_413 = vector.shape_cast %get3A_412 : vector<1x16xf32> to vector<16xf32>
        %add3A_414 = arith.addf %add3A_404, %get3A_413 : vector<16xf32>
        %mul3A_415 = arith.constant 2.000000e-01 : f32
        %mul3A_416 = vector.broadcast %mul3A_415 : f32 to vector<16xf32>
        %mul3A_417 = arith.mulf %add3A_414, %mul3A_416 : vector<16xf32>
        %add3A_418 = arith.constant 64 : i32
        %add3A_419 = arith.addi %mul3A_137, %add3A_418 : i32
        %swap3A_420 = arith.constant 0 : i32
        %swap3A_421 = arith.index_cast %swap3A_420 : i32 to index
        %swap3A_422 = arith.index_cast %add3A_419 : i32 to index
        %swap3A_423 = tpu.vector_load %arg5[%swap3A_421, %swap3A_422] {strides = array<i32>} : memref<2x3200xf32, #tpu.memory_space<vmem>>, vector<1x16xf32>,
        %swap3A_424 = vector.shape_cast %swap3A_423 : vector<1x16xf32> to vector<16xf32>
        %swap3A_425 = vector.shape_cast %mul3A_417 : vector<16xf32> to vector<1x16xf32>
        tpu.vector_store %arg5[%swap3A_421, %swap3A_422], %swap3A_425 {strides = array<i32>} : memref<2x3200xf32, #tpu.memory_space<vmem>>, vector<1x16xf32>,
        %add3A_426 = arith.constant 80 : i32
        %add3A_427 = arith.addi %mul3A_135, %add3A_426 : i32
        %get3A_428 = arith.constant 0 : i32
        %get3A_429 = arith.index_cast %get3A_428 : i32 to index
        %get3A_430 = arith.index_cast %add3A_427 : i32 to index
        %get3A_431 = tpu.vector_load %arg4[%get3A_429, %get3A_430] {strides = array<i32>} : memref<2x16000xf32, #tpu.memory_space<vmem>>, vector<1x16xf32>,
        %get3A_432 = vector.shape_cast %get3A_431 : vector<1x16xf32> to vector<16xf32>
        %add3A_433 = arith.constant 128 : i32
        %add3A_434 = arith.addi %mul3A_135, %add3A_433 : i32
        %add3A_435 = arith.constant 80 : i32
        %add3A_436 = arith.addi %add3A_434, %add3A_435 : i32
        %get3A_437 = arith.constant 0 : i32
        %get3A_438 = arith.index_cast %get3A_437 : i32 to index
        %get3A_439 = arith.index_cast %add3A_436 : i32 to index
        %get3A_440 = tpu.vector_load %arg4[%get3A_438, %get3A_439] {strides = array<i32>} : memref<2x16000xf32, #tpu.memory_space<vmem>>, vector<1x16xf32>,
        %get3A_441 = vector.shape_cast %get3A_440 : vector<1x16xf32> to vector<16xf32>
        %add3A_442 = arith.addf %get3A_432, %get3A_441 : vector<16xf32>
        %add3A_443 = arith.constant 256 : i32
        %add3A_444 = arith.addi %mul3A_135, %add3A_443 : i32
        %add3A_445 = arith.constant 80 : i32
        %add3A_446 = arith.addi %add3A_444, %add3A_445 : i32
        %get3A_447 = arith.constant 0 : i32
        %get3A_448 = arith.index_cast %get3A_447 : i32 to index
        %get3A_449 = arith.index_cast %add3A_446 : i32 to index
        %get3A_450 = tpu.vector_load %arg4[%get3A_448, %get3A_449] {strides = array<i32>} : memref<2x16000xf32, #tpu.memory_space<vmem>>, vector<1x16xf32>,
        %get3A_451 = vector.shape_cast %get3A_450 : vector<1x16xf32> to vector<16xf32>
        %add3A_452 = arith.addf %add3A_442, %get3A_451 : vector<16xf32>
        %add3A_453 = arith.constant 384 : i32
        %add3A_454 = arith.addi %mul3A_135, %add3A_453 : i32
        %add3A_455 = arith.constant 80 : i32
        %add3A_456 = arith.addi %add3A_454, %add3A_455 : i32
        %get3A_457 = arith.constant 0 : i32
        %get3A_458 = arith.index_cast %get3A_457 : i32 to index
        %get3A_459 = arith.index_cast %add3A_456 : i32 to index
        %get3A_460 = tpu.vector_load %arg4[%get3A_458, %get3A_459] {strides = array<i32>} : memref<2x16000xf32, #tpu.memory_space<vmem>>, vector<1x16xf32>,
        %get3A_461 = vector.shape_cast %get3A_460 : vector<1x16xf32> to vector<16xf32>
        %add3A_462 = arith.addf %add3A_452, %get3A_461 : vector<16xf32>
        %add3A_463 = arith.constant 512 : i32
        %add3A_464 = arith.addi %mul3A_135, %add3A_463 : i32
        %add3A_465 = arith.constant 80 : i32
        %add3A_466 = arith.addi %add3A_464, %add3A_465 : i32
        %get3A_467 = arith.constant 0 : i32
        %get3A_468 = arith.index_cast %get3A_467 : i32 to index
        %get3A_469 = arith.index_cast %add3A_466 : i32 to index
        %get3A_470 = tpu.vector_load %arg4[%get3A_468, %get3A_469] {strides = array<i32>} : memref<2x16000xf32, #tpu.memory_space<vmem>>, vector<1x16xf32>,
        %get3A_471 = vector.shape_cast %get3A_470 : vector<1x16xf32> to vector<16xf32>
        %add3A_472 = arith.addf %add3A_462, %get3A_471 : vector<16xf32>
        %mul3A_473 = arith.constant 2.000000e-01 : f32
        %mul3A_474 = vector.broadcast %mul3A_473 : f32 to vector<16xf32>
        %mul3A_475 = arith.mulf %add3A_472, %mul3A_474 : vector<16xf32>
        %add3A_476 = arith.constant 80 : i32
        %add3A_477 = arith.addi %mul3A_137, %add3A_476 : i32
        %swap3A_478 = arith.constant 0 : i32
        %swap3A_479 = arith.index_cast %swap3A_478 : i32 to index
        %swap3A_480 = arith.index_cast %add3A_477 : i32 to index
        %swap3A_481 = tpu.vector_load %arg5[%swap3A_479, %swap3A_480] {strides = array<i32>} : memref<2x3200xf32, #tpu.memory_space<vmem>>, vector<1x16xf32>,
        %swap3A_482 = vector.shape_cast %swap3A_481 : vector<1x16xf32> to vector<16xf32>
        %swap3A_483 = vector.shape_cast %mul3A_475 : vector<16xf32> to vector<1x16xf32>
        tpu.vector_store %arg5[%swap3A_479, %swap3A_480], %swap3A_483 {strides = array<i32>} : memref<2x3200xf32, #tpu.memory_space<vmem>>, vector<1x16xf32>,
        %add3A_484 = arith.constant 96 : i32
        %add3A_485 = arith.addi %mul3A_135, %add3A_484 : i32
        %get3A_486 = arith.constant 0 : i32
        %get3A_487 = arith.index_cast %get3A_486 : i32 to index
        %get3A_488 = arith.index_cast %add3A_485 : i32 to index
        %get3A_489 = tpu.vector_load %arg4[%get3A_487, %get3A_488] {strides = array<i32>} : memref<2x16000xf32, #tpu.memory_space<vmem>>, vector<1x16xf32>,
        %get3A_490 = vector.shape_cast %get3A_489 : vector<1x16xf32> to vector<16xf32>
        %add3A_491 = arith.constant 128 : i32
        %add3A_492 = arith.addi %mul3A_135, %add3A_491 : i32
        %add3A_493 = arith.constant 96 : i32
        %add3A_494 = arith.addi %add3A_492, %add3A_493 : i32
        %get3A_495 = arith.constant 0 : i32
        %get3A_496 = arith.index_cast %get3A_495 : i32 to index
        %get3A_497 = arith.index_cast %add3A_494 : i32 to index
        %get3A_498 = tpu.vector_load %arg4[%get3A_496, %get3A_497] {strides = array<i32>} : memref<2x16000xf32, #tpu.memory_space<vmem>>, vector<1x16xf32>,
        %get3A_499 = vector.shape_cast %get3A_498 : vector<1x16xf32> to vector<16xf32>
        %add3A_500 = arith.addf %get3A_490, %get3A_499 : vector<16xf32>
        %add3A_501 = arith.constant 256 : i32
        %add3A_502 = arith.addi %mul3A_135, %add3A_501 : i32
        %add3A_503 = arith.constant 96 : i32
        %add3A_504 = arith.addi %add3A_502, %add3A_503 : i32
        %get3A_505 = arith.constant 0 : i32
        %get3A_506 = arith.index_cast %get3A_505 : i32 to index
        %get3A_507 = arith.index_cast %add3A_504 : i32 to index
        %get3A_508 = tpu.vector_load %arg4[%get3A_506, %get3A_507] {strides = array<i32>} : memref<2x16000xf32, #tpu.memory_space<vmem>>, vector<1x16xf32>,
        %get3A_509 = vector.shape_cast %get3A_508 : vector<1x16xf32> to vector<16xf32>
        %add3A_510 = arith.addf %add3A_500, %get3A_509 : vector<16xf32>
        %add3A_511 = arith.constant 384 : i32
        %add3A_512 = arith.addi %mul3A_135, %add3A_511 : i32
        %add3A_513 = arith.constant 96 : i32
        %add3A_514 = arith.addi %add3A_512, %add3A_513 : i32
        %get3A_515 = arith.constant 0 : i32
        %get3A_516 = arith.index_cast %get3A_515 : i32 to index
        %get3A_517 = arith.index_cast %add3A_514 : i32 to index
        %get3A_518 = tpu.vector_load %arg4[%get3A_516, %get3A_517] {strides = array<i32>} : memref<2x16000xf32, #tpu.memory_space<vmem>>, vector<1x16xf32>,
        %get3A_519 = vector.shape_cast %get3A_518 : vector<1x16xf32> to vector<16xf32>
        %add3A_520 = arith.addf %add3A_510, %get3A_519 : vector<16xf32>
        %add3A_521 = arith.constant 512 : i32
        %add3A_522 = arith.addi %mul3A_135, %add3A_521 : i32
        %add3A_523 = arith.constant 96 : i32
        %add3A_524 = arith.addi %add3A_522, %add3A_523 : i32
        %get3A_525 = arith.constant 0 : i32
        %get3A_526 = arith.index_cast %get3A_525 : i32 to index
        %get3A_527 = arith.index_cast %add3A_524 : i32 to index
        %get3A_528 = tpu.vector_load %arg4[%get3A_526, %get3A_527] {strides = array<i32>} : memref<2x16000xf32, #tpu.memory_space<vmem>>, vector<1x16xf32>,
        %get3A_529 = vector.shape_cast %get3A_528 : vector<1x16xf32> to vector<16xf32>
        %add3A_530 = arith.addf %add3A_520, %get3A_529 : vector<16xf32>
        %mul3A_531 = arith.constant 2.000000e-01 : f32
        %mul3A_532 = vector.broadcast %mul3A_531 : f32 to vector<16xf32>
        %mul3A_533 = arith.mulf %add3A_530, %mul3A_532 : vector<16xf32>
        %add3A_534 = arith.constant 96 : i32
        %add3A_535 = arith.addi %mul3A_137, %add3A_534 : i32
        %swap3A_536 = arith.constant 0 : i32
        %swap3A_537 = arith.index_cast %swap3A_536 : i32 to index
        %swap3A_538 = arith.index_cast %add3A_535 : i32 to index
        %swap3A_539 = tpu.vector_load %arg5[%swap3A_537, %swap3A_538] {strides = array<i32>} : memref<2x3200xf32, #tpu.memory_space<vmem>>, vector<1x16xf32>,
        %swap3A_540 = vector.shape_cast %swap3A_539 : vector<1x16xf32> to vector<16xf32>
        %swap3A_541 = vector.shape_cast %mul3A_533 : vector<16xf32> to vector<1x16xf32>
        tpu.vector_store %arg5[%swap3A_537, %swap3A_538], %swap3A_541 {strides = array<i32>} : memref<2x3200xf32, #tpu.memory_space<vmem>>, vector<1x16xf32>,
        %add3A_542 = arith.constant 112 : i32
        %add3A_543 = arith.addi %mul3A_135, %add3A_542 : i32
        %get3A_544 = arith.constant 0 : i32
        %get3A_545 = arith.index_cast %get3A_544 : i32 to index
        %get3A_546 = arith.index_cast %add3A_543 : i32 to index
        %get3A_547 = tpu.vector_load %arg4[%get3A_545, %get3A_546] {strides = array<i32>} : memref<2x16000xf32, #tpu.memory_space<vmem>>, vector<1x16xf32>,
        %get3A_548 = vector.shape_cast %get3A_547 : vector<1x16xf32> to vector<16xf32>
        %add3A_549 = arith.constant 128 : i32
        %add3A_550 = arith.addi %mul3A_135, %add3A_549 : i32
        %add3A_551 = arith.constant 112 : i32
        %add3A_552 = arith.addi %add3A_550, %add3A_551 : i32
        %get3A_553 = arith.constant 0 : i32
        %get3A_554 = arith.index_cast %get3A_553 : i32 to index
        %get3A_555 = arith.index_cast %add3A_552 : i32 to index
        %get3A_556 = tpu.vector_load %arg4[%get3A_554, %get3A_555] {strides = array<i32>} : memref<2x16000xf32, #tpu.memory_space<vmem>>, vector<1x16xf32>,
        %get3A_557 = vector.shape_cast %get3A_556 : vector<1x16xf32> to vector<16xf32>
        %add3A_558 = arith.addf %get3A_548, %get3A_557 : vector<16xf32>
        %add3A_559 = arith.constant 256 : i32
        %add3A_560 = arith.addi %mul3A_135, %add3A_559 : i32
        %add3A_561 = arith.constant 112 : i32
        %add3A_562 = arith.addi %add3A_560, %add3A_561 : i32
        %get3A_563 = arith.constant 0 : i32
        %get3A_564 = arith.index_cast %get3A_563 : i32 to index
        %get3A_565 = arith.index_cast %add3A_562 : i32 to index
        %get3A_566 = tpu.vector_load %arg4[%get3A_564, %get3A_565] {strides = array<i32>} : memref<2x16000xf32, #tpu.memory_space<vmem>>, vector<1x16xf32>,
        %get3A_567 = vector.shape_cast %get3A_566 : vector<1x16xf32> to vector<16xf32>
        %add3A_568 = arith.addf %add3A_558, %get3A_567 : vector<16xf32>
        %add3A_569 = arith.constant 384 : i32
        %add3A_570 = arith.addi %mul3A_135, %add3A_569 : i32
        %add3A_571 = arith.constant 112 : i32
        %add3A_572 = arith.addi %add3A_570, %add3A_571 : i32
        %get3A_573 = arith.constant 0 : i32
        %get3A_574 = arith.index_cast %get3A_573 : i32 to index
        %get3A_575 = arith.index_cast %add3A_572 : i32 to index
        %get3A_576 = tpu.vector_load %arg4[%get3A_574, %get3A_575] {strides = array<i32>} : memref<2x16000xf32, #tpu.memory_space<vmem>>, vector<1x16xf32>,
        %get3A_577 = vector.shape_cast %get3A_576 : vector<1x16xf32> to vector<16xf32>
        %add3A_578 = arith.addf %add3A_568, %get3A_577 : vector<16xf32>
        %add3A_579 = arith.constant 512 : i32
        %add3A_580 = arith.addi %mul3A_135, %add3A_579 : i32
        %add3A_581 = arith.constant 112 : i32
        %add3A_582 = arith.addi %add3A_580, %add3A_581 : i32
        %get3A_583 = arith.constant 0 : i32
        %get3A_584 = arith.index_cast %get3A_583 : i32 to index
        %get3A_585 = arith.index_cast %add3A_582 : i32 to index
        %get3A_586 = tpu.vector_load %arg4[%get3A_584, %get3A_585] {strides = array<i32>} : memref<2x16000xf32, #tpu.memory_space<vmem>>, vector<1x16xf32>,
        %get3A_587 = vector.shape_cast %get3A_586 : vector<1x16xf32> to vector<16xf32>
        %add3A_588 = arith.addf %add3A_578, %get3A_587 : vector<16xf32>
        %mul3A_589 = arith.constant 2.000000e-01 : f32
        %mul3A_590 = vector.broadcast %mul3A_589 : f32 to vector<16xf32>
        %mul3A_591 = arith.mulf %add3A_588, %mul3A_590 : vector<16xf32>
        %add3A_592 = arith.constant 112 : i32
        %add3A_593 = arith.addi %mul3A_137, %add3A_592 : i32
        %swap3A_594 = arith.constant 0 : i32
        %swap3A_595 = arith.index_cast %swap3A_594 : i32 to index
        %swap3A_596 = arith.index_cast %add3A_593 : i32 to index
        %swap3A_597 = tpu.vector_load %arg5[%swap3A_595, %swap3A_596] {strides = array<i32>} : memref<2x3200xf32, #tpu.memory_space<vmem>>, vector<1x16xf32>,
        %swap3A_598 = vector.shape_cast %swap3A_597 : vector<1x16xf32> to vector<16xf32>
        %swap3A_599 = vector.shape_cast %mul3A_591 : vector<16xf32> to vector<1x16xf32>
        tpu.vector_store %arg5[%swap3A_595, %swap3A_596], %swap3A_599 {strides = array<i32>} : memref<2x3200xf32, #tpu.memory_space<vmem>>, vector<1x16xf32>,
      }
      %scan3A_79 = arith.constant 25 : i32
      %mul3A_80 = arith.constant 3200 : i32
      %mul3A_81 = arith.muli %mul3A_43, %mul3A_80 : i32
      %add3A_82 = arith.addi %mul3A_4, %mul3A_81 : i32
      %dma_start3A_83 = arith.constant 0 : i32
      %dma_start3A_84 = arith.constant 0 : i32
      %dma_start3A_85 = tpu.memref_slice %arg5[%dma_start3A_83, %dma_start3A_84] : memref<2x3200xf32, #tpu.memory_space<vmem>> -> memref<1x3200xf32, #tpu.memory_space<vmem>>
      %dma_start3A_86 = tpu.memref_squeeze %dma_start3A_85 : memref<1x3200xf32, #tpu.memory_space<vmem>> -> memref<3200xf32, #tpu.memory_space<vmem>>
      %dma_start3A_87 = tpu.memref_slice %arg3[%add3A_82] : memref<1024000xf32, #tpu.memory_space<hbm>> -> memref<3200xf32, #tpu.memory_space<hbm>>
      %dma_start3A_88 = tpu.memref_slice %arg3[%add3A_82] : memref<1024000xf32, #tpu.memory_space<hbm>> -> memref<3200xf32, #tpu.memory_space<hbm>>
      %dma_start3A_89 = arith.constant 0 : i32
      %dma_start3A_90 = tpu.memref_slice %arg5[%dma_start3A_83, %dma_start3A_89] : memref<2x3200xf32, #tpu.memory_space<vmem>> -> memref<1x3200xf32, #tpu.memory_space<vmem>>
      %dma_start3A_91 = tpu.memref_squeeze %dma_start3A_90 : memref<1x3200xf32, #tpu.memory_space<vmem>> -> memref<3200xf32, #tpu.memory_space<vmem>>
      tpu.enqueue_dma source(%dma_start3A_91 : memref<3200xf32, #tpu.memory_space<vmem>>) target(%dma_start3A_88 : memref<3200xf32, #tpu.memory_space<hbm>>) target_semaphore(%arg8 : memref<!tpu.dma_semaphore, #tpu.memory_space<semaphore_mem>>)
      %add3A_92 = arith.constant 1 : i32
      %add3A_93 = arith.addi %scan3A_41, %add3A_92 : i32
      %lt3A = arith.constant 5 : i32
      %lt3A_94 = arith.cmpi slt, %add3A_93, %lt3A : i32
      %convert_element_type3A_95 = arith.extui %lt3A_94 : i1 to i32
      %cond3A_96 = arith.constant 0 : i32
      %cond3A_97 = arith.cmpi ne, %convert_element_type3A_95, %cond3A_96 : i32
      scf.if %cond3A_97 {
        %add3A_133 = arith.constant 2 : i32
        %add3A_134 = arith.addi %mul3A_43, %add3A_133 : i32
        %mul3A_135 = arith.constant 16000 : i32
        %mul3A_136 = arith.muli %add3A_134, %mul3A_135 : i32
        %add3A_137 = arith.addi %mul3A_2, %mul3A_136 : i32
        %dma_start3A_138 = arith.constant 0 : i32
        %dma_start3A_139 = arith.constant 0 : i32
        %dma_start3A_140 = tpu.memref_slice %arg4[%dma_start3A_138, %dma_start3A_139] : memref<2x16000xf32, #tpu.memory_space<vmem>> -> memref<1x16000xf32, #tpu.memory_space<vmem>>
        %dma_start3A_141 = tpu.memref_squeeze %dma_start3A_140 : memref<1x16000xf32, #tpu.memory_space<vmem>> -> memref<16000xf32, #tpu.memory_space<vmem>>
        %dma_start3A_142 = tpu.memref_slice %arg2[%add3A_137] : memref<64000000xf32, #tpu.memory_space<hbm>> -> memref<16000xf32, #tpu.memory_space<hbm>>
        %dma_start3A_143 = arith.constant 0 : i32
        %dma_start3A_144 = tpu.memref_slice %arg4[%dma_start3A_138, %dma_start3A_143] : memref<2x16000xf32, #tpu.memory_space<vmem>> -> memref<1x16000xf32, #tpu.memory_space<vmem>>
        %dma_start3A_145 = tpu.memref_squeeze %dma_start3A_144 : memref<1x16000xf32, #tpu.memory_space<vmem>> -> memref<16000xf32, #tpu.memory_space<vmem>>
        %dma_start3A_146 = tpu.memref_slice %arg2[%add3A_137] : memref<64000000xf32, #tpu.memory_space<hbm>> -> memref<16000xf32, #tpu.memory_space<hbm>>
        tpu.enqueue_dma source(%dma_start3A_146 : memref<16000xf32, #tpu.memory_space<hbm>>) target(%dma_start3A_145 : memref<16000xf32, #tpu.memory_space<vmem>>) target_semaphore(%arg6 : memref<!tpu.dma_semaphore, #tpu.memory_space<semaphore_mem>>)
      } else {
      }
      %mul3A_98 = arith.constant 16000 : i32
      %mul3A_99 = arith.muli %add3A_47, %mul3A_98 : i32
      %add3A_100 = arith.addi %mul3A_2, %mul3A_99 : i32
      %dma_wait3A_101 = arith.constant 1 : i32
      %dma_wait3A_102 = arith.constant 0 : i32
      %dma_wait3A_103 = tpu.memref_slice %arg4[%dma_wait3A_101, %dma_wait3A_102] : memref<2x16000xf32, #tpu.memory_space<vmem>> -> memref<1x16000xf32, #tpu.memory_space<vmem>>
      %dma_wait3A_104 = tpu.memref_squeeze %dma_wait3A_103 : memref<1x16000xf32, #tpu.memory_space<vmem>> -> memref<16000xf32, #tpu.memory_space<vmem>>
      %dma_wait3A_105 = tpu.memref_slice %arg2[%add3A_100] : memref<64000000xf32, #tpu.memory_space<hbm>> -> memref<16000xf32, #tpu.memory_space<hbm>>
      %dma_wait3A_106 = arith.constant 0 : i32
      %dma_wait3A_107 = tpu.memref_slice %arg4[%dma_wait3A_101, %dma_wait3A_106] : memref<2x16000xf32, #tpu.memory_space<vmem>> -> memref<1x16000xf32, #tpu.memory_space<vmem>>
      %dma_wait3A_108 = tpu.memref_squeeze %dma_wait3A_107 : memref<1x16000xf32, #tpu.memory_space<vmem>> -> memref<16000xf32, #tpu.memory_space<vmem>>
      %dma_wait3A_109 = tpu.memref_slice %arg2[%add3A_100] : memref<64000000xf32, #tpu.memory_space<hbm>> -> memref<16000xf32, #tpu.memory_space<hbm>>
      tpu.wait_dma2 semaphore(%arg7 : memref<!tpu.dma_semaphore, #tpu.memory_space<semaphore_mem>>) src(%dma_wait3A_109 : memref<16000xf32, #tpu.memory_space<hbm>>) dst(%dma_wait3A_108 : memref<16000xf32, #tpu.memory_space<vmem>>)
      %gt3A_110 = arith.constant 0 : i32
      %gt3A_111 = arith.cmpi sgt, %scan3A_41, %gt3A_110 : i32
      %convert_element_type3A_112 = arith.extui %gt3A_111 : i1 to i32
      %cond3A_113 = arith.constant 0 : i32
      %cond3A_114 = arith.cmpi ne, %convert_element_type3A_112, %cond3A_113 : i32
      scf.if %cond3A_114 {
        %sub3A = arith.constant 2 : i32
        %sub3A_133 = arith.subi %add3A_47, %sub3A : i32
        %mul3A_134 = arith.constant 3200 : i32
        %mul3A_135 = arith.muli %sub3A_133, %mul3A_134 : i32
        %add3A_136 = arith.addi %mul3A_4, %mul3A_135 : i32
        %dma_wait3A_137 = arith.constant 1 : i32
        %dma_wait3A_138 = arith.constant 0 : i32
        %dma_wait3A_139 = tpu.memref_slice %arg5[%dma_wait3A_137, %dma_wait3A_138] : memref<2x3200xf32, #tpu.memory_space<vmem>> -> memref<1x3200xf32, #tpu.memory_space<vmem>>
        %dma_wait3A_140 = tpu.memref_squeeze %dma_wait3A_139 : memref<1x3200xf32, #tpu.memory_space<vmem>> -> memref<3200xf32, #tpu.memory_space<vmem>>
        %dma_wait3A_141 = tpu.memref_slice %arg3[%add3A_136] : memref<1024000xf32, #tpu.memory_space<hbm>> -> memref<3200xf32, #tpu.memory_space<hbm>>
        %dma_wait3A_142 = tpu.memref_slice %arg3[%add3A_136] : memref<1024000xf32, #tpu.memory_space<hbm>> -> memref<3200xf32, #tpu.memory_space<hbm>>
        %dma_wait3A_143 = arith.constant 0 : i32
        %dma_wait3A_144 = tpu.memref_slice %arg5[%dma_wait3A_137, %dma_wait3A_143] : memref<2x3200xf32, #tpu.memory_space<vmem>> -> memref<1x3200xf32, #tpu.memory_space<vmem>>
        %dma_wait3A_145 = tpu.memref_squeeze %dma_wait3A_144 : memref<1x3200xf32, #tpu.memory_space<vmem>> -> memref<3200xf32, #tpu.memory_space<vmem>>
        tpu.wait_dma2 semaphore(%arg9 : memref<!tpu.dma_semaphore, #tpu.memory_space<semaphore_mem>>) src(%dma_wait3A_145 : memref<3200xf32, #tpu.memory_space<vmem>>) dst(%dma_wait3A_142 : memref<3200xf32, #tpu.memory_space<hbm>>)
      } else {
      }
      %scan3A_115 = arith.constant 0 : i32
      %scan3A_116 = arith.constant 0 : i32
      %scan3A_117 = arith.constant 25 : i32
      %scan3A_118 = arith.addi %scan3A_116, %scan3A_117 : i32
      %scan3A_119 = arith.constant 1 : i32
      scf.for %scan3A_133 = %scan3A_116 to %scan3A_118 step %scan3A_119  : i32 {
        %mul3A_134 = arith.constant 640 : i32
        %mul3A_135 = arith.muli %scan3A_133, %mul3A_134 : i32
        %mul3A_136 = arith.constant 128 : i32
        %mul3A_137 = arith.muli %scan3A_133, %mul3A_136 : i32
        %add3A_138 = arith.constant 0 : i32
        %add3A_139 = arith.addi %mul3A_135, %add3A_138 : i32
        %get3A = arith.constant 1 : i32
        %get3A_140 = arith.index_cast %get3A : i32 to index
        %get3A_141 = arith.index_cast %add3A_139 : i32 to index
        %get3A_142 = tpu.vector_load %arg4[%get3A_140, %get3A_141] {strides = array<i32>} : memref<2x16000xf32, #tpu.memory_space<vmem>>, vector<1x16xf32>,
        %get3A_143 = vector.shape_cast %get3A_142 : vector<1x16xf32> to vector<16xf32>
        %add3A_144 = arith.constant 128 : i32
        %add3A_145 = arith.addi %mul3A_135, %add3A_144 : i32
        %add3A_146 = arith.constant 0 : i32
        %add3A_147 = arith.addi %add3A_145, %add3A_146 : i32
        %get3A_148 = arith.constant 1 : i32
        %get3A_149 = arith.index_cast %get3A_148 : i32 to index
        %get3A_150 = arith.index_cast %add3A_147 : i32 to index
        %get3A_151 = tpu.vector_load %arg4[%get3A_149, %get3A_150] {strides = array<i32>} : memref<2x16000xf32, #tpu.memory_space<vmem>>, vector<1x16xf32>,
        %get3A_152 = vector.shape_cast %get3A_151 : vector<1x16xf32> to vector<16xf32>
        %add3A_153 = arith.addf %get3A_143, %get3A_152 : vector<16xf32>
        %add3A_154 = arith.constant 256 : i32
        %add3A_155 = arith.addi %mul3A_135, %add3A_154 : i32
        %add3A_156 = arith.constant 0 : i32
        %add3A_157 = arith.addi %add3A_155, %add3A_156 : i32
        %get3A_158 = arith.constant 1 : i32
        %get3A_159 = arith.index_cast %get3A_158 : i32 to index
        %get3A_160 = arith.index_cast %add3A_157 : i32 to index
        %get3A_161 = tpu.vector_load %arg4[%get3A_159, %get3A_160] {strides = array<i32>} : memref<2x16000xf32, #tpu.memory_space<vmem>>, vector<1x16xf32>,
        %get3A_162 = vector.shape_cast %get3A_161 : vector<1x16xf32> to vector<16xf32>
        %add3A_163 = arith.addf %add3A_153, %get3A_162 : vector<16xf32>
        %add3A_164 = arith.constant 384 : i32
        %add3A_165 = arith.addi %mul3A_135, %add3A_164 : i32
        %add3A_166 = arith.constant 0 : i32
        %add3A_167 = arith.addi %add3A_165, %add3A_166 : i32
        %get3A_168 = arith.constant 1 : i32
        %get3A_169 = arith.index_cast %get3A_168 : i32 to index
        %get3A_170 = arith.index_cast %add3A_167 : i32 to index
        %get3A_171 = tpu.vector_load %arg4[%get3A_169, %get3A_170] {strides = array<i32>} : memref<2x16000xf32, #tpu.memory_space<vmem>>, vector<1x16xf32>,
        %get3A_172 = vector.shape_cast %get3A_171 : vector<1x16xf32> to vector<16xf32>
        %add3A_173 = arith.addf %add3A_163, %get3A_172 : vector<16xf32>
        %add3A_174 = arith.constant 512 : i32
        %add3A_175 = arith.addi %mul3A_135, %add3A_174 : i32
        %add3A_176 = arith.constant 0 : i32
        %add3A_177 = arith.addi %add3A_175, %add3A_176 : i32
        %get3A_178 = arith.constant 1 : i32
        %get3A_179 = arith.index_cast %get3A_178 : i32 to index
        %get3A_180 = arith.index_cast %add3A_177 : i32 to index
        %get3A_181 = tpu.vector_load %arg4[%get3A_179, %get3A_180] {strides = array<i32>} : memref<2x16000xf32, #tpu.memory_space<vmem>>, vector<1x16xf32>,
        %get3A_182 = vector.shape_cast %get3A_181 : vector<1x16xf32> to vector<16xf32>
        %add3A_183 = arith.addf %add3A_173, %get3A_182 : vector<16xf32>
        %mul3A_184 = arith.constant 2.000000e-01 : f32
        %mul3A_185 = vector.broadcast %mul3A_184 : f32 to vector<16xf32>
        %mul3A_186 = arith.mulf %add3A_183, %mul3A_185 : vector<16xf32>
        %add3A_187 = arith.constant 0 : i32
        %add3A_188 = arith.addi %mul3A_137, %add3A_187 : i32
        %swap3A = arith.constant 1 : i32
        %swap3A_189 = arith.index_cast %swap3A : i32 to index
        %swap3A_190 = arith.index_cast %add3A_188 : i32 to index
        %swap3A_191 = tpu.vector_load %arg5[%swap3A_189, %swap3A_190] {strides = array<i32>} : memref<2x3200xf32, #tpu.memory_space<vmem>>, vector<1x16xf32>,
        %swap3A_192 = vector.shape_cast %swap3A_191 : vector<1x16xf32> to vector<16xf32>
        %swap3A_193 = vector.shape_cast %mul3A_186 : vector<16xf32> to vector<1x16xf32>
        tpu.vector_store %arg5[%swap3A_189, %swap3A_190], %swap3A_193 {strides = array<i32>} : memref<2x3200xf32, #tpu.memory_space<vmem>>, vector<1x16xf32>,
        %add3A_194 = arith.constant 16 : i32
        %add3A_195 = arith.addi %mul3A_135, %add3A_194 : i32
        %get3A_196 = arith.constant 1 : i32
        %get3A_197 = arith.index_cast %get3A_196 : i32 to index
        %get3A_198 = arith.index_cast %add3A_195 : i32 to index
        %get3A_199 = tpu.vector_load %arg4[%get3A_197, %get3A_198] {strides = array<i32>} : memref<2x16000xf32, #tpu.memory_space<vmem>>, vector<1x16xf32>,
        %get3A_200 = vector.shape_cast %get3A_199 : vector<1x16xf32> to vector<16xf32>
        %add3A_201 = arith.constant 128 : i32
        %add3A_202 = arith.addi %mul3A_135, %add3A_201 : i32
        %add3A_203 = arith.constant 16 : i32
        %add3A_204 = arith.addi %add3A_202, %add3A_203 : i32
        %get3A_205 = arith.constant 1 : i32
        %get3A_206 = arith.index_cast %get3A_205 : i32 to index
        %get3A_207 = arith.index_cast %add3A_204 : i32 to index
        %get3A_208 = tpu.vector_load %arg4[%get3A_206, %get3A_207] {strides = array<i32>} : memref<2x16000xf32, #tpu.memory_space<vmem>>, vector<1x16xf32>,
        %get3A_209 = vector.shape_cast %get3A_208 : vector<1x16xf32> to vector<16xf32>
        %add3A_210 = arith.addf %get3A_200, %get3A_209 : vector<16xf32>
        %add3A_211 = arith.constant 256 : i32
        %add3A_212 = arith.addi %mul3A_135, %add3A_211 : i32
        %add3A_213 = arith.constant 16 : i32
        %add3A_214 = arith.addi %add3A_212, %add3A_213 : i32
        %get3A_215 = arith.constant 1 : i32
        %get3A_216 = arith.index_cast %get3A_215 : i32 to index
        %get3A_217 = arith.index_cast %add3A_214 : i32 to index
        %get3A_218 = tpu.vector_load %arg4[%get3A_216, %get3A_217] {strides = array<i32>} : memref<2x16000xf32, #tpu.memory_space<vmem>>, vector<1x16xf32>,
        %get3A_219 = vector.shape_cast %get3A_218 : vector<1x16xf32> to vector<16xf32>
        %add3A_220 = arith.addf %add3A_210, %get3A_219 : vector<16xf32>
        %add3A_221 = arith.constant 384 : i32
        %add3A_222 = arith.addi %mul3A_135, %add3A_221 : i32
        %add3A_223 = arith.constant 16 : i32
        %add3A_224 = arith.addi %add3A_222, %add3A_223 : i32
        %get3A_225 = arith.constant 1 : i32
        %get3A_226 = arith.index_cast %get3A_225 : i32 to index
        %get3A_227 = arith.index_cast %add3A_224 : i32 to index
        %get3A_228 = tpu.vector_load %arg4[%get3A_226, %get3A_227] {strides = array<i32>} : memref<2x16000xf32, #tpu.memory_space<vmem>>, vector<1x16xf32>,
        %get3A_229 = vector.shape_cast %get3A_228 : vector<1x16xf32> to vector<16xf32>
        %add3A_230 = arith.addf %add3A_220, %get3A_229 : vector<16xf32>
        %add3A_231 = arith.constant 512 : i32
        %add3A_232 = arith.addi %mul3A_135, %add3A_231 : i32
        %add3A_233 = arith.constant 16 : i32
        %add3A_234 = arith.addi %add3A_232, %add3A_233 : i32
        %get3A_235 = arith.constant 1 : i32
        %get3A_236 = arith.index_cast %get3A_235 : i32 to index
        %get3A_237 = arith.index_cast %add3A_234 : i32 to index
        %get3A_238 = tpu.vector_load %arg4[%get3A_236, %get3A_237] {strides = array<i32>} : memref<2x16000xf32, #tpu.memory_space<vmem>>, vector<1x16xf32>,
        %get3A_239 = vector.shape_cast %get3A_238 : vector<1x16xf32> to vector<16xf32>
        %add3A_240 = arith.addf %add3A_230, %get3A_239 : vector<16xf32>
        %mul3A_241 = arith.constant 2.000000e-01 : f32
        %mul3A_242 = vector.broadcast %mul3A_241 : f32 to vector<16xf32>
        %mul3A_243 = arith.mulf %add3A_240, %mul3A_242 : vector<16xf32>
        %add3A_244 = arith.constant 16 : i32
        %add3A_245 = arith.addi %mul3A_137, %add3A_244 : i32
        %swap3A_246 = arith.constant 1 : i32
        %swap3A_247 = arith.index_cast %swap3A_246 : i32 to index
        %swap3A_248 = arith.index_cast %add3A_245 : i32 to index
        %swap3A_249 = tpu.vector_load %arg5[%swap3A_247, %swap3A_248] {strides = array<i32>} : memref<2x3200xf32, #tpu.memory_space<vmem>>, vector<1x16xf32>,
        %swap3A_250 = vector.shape_cast %swap3A_249 : vector<1x16xf32> to vector<16xf32>
        %swap3A_251 = vector.shape_cast %mul3A_243 : vector<16xf32> to vector<1x16xf32>
        tpu.vector_store %arg5[%swap3A_247, %swap3A_248], %swap3A_251 {strides = array<i32>} : memref<2x3200xf32, #tpu.memory_space<vmem>>, vector<1x16xf32>,
        %add3A_252 = arith.constant 32 : i32
        %add3A_253 = arith.addi %mul3A_135, %add3A_252 : i32
        %get3A_254 = arith.constant 1 : i32
        %get3A_255 = arith.index_cast %get3A_254 : i32 to index
        %get3A_256 = arith.index_cast %add3A_253 : i32 to index
        %get3A_257 = tpu.vector_load %arg4[%get3A_255, %get3A_256] {strides = array<i32>} : memref<2x16000xf32, #tpu.memory_space<vmem>>, vector<1x16xf32>,
        %get3A_258 = vector.shape_cast %get3A_257 : vector<1x16xf32> to vector<16xf32>
        %add3A_259 = arith.constant 128 : i32
        %add3A_260 = arith.addi %mul3A_135, %add3A_259 : i32
        %add3A_261 = arith.constant 32 : i32
        %add3A_262 = arith.addi %add3A_260, %add3A_261 : i32
        %get3A_263 = arith.constant 1 : i32
        %get3A_264 = arith.index_cast %get3A_263 : i32 to index
        %get3A_265 = arith.index_cast %add3A_262 : i32 to index
        %get3A_266 = tpu.vector_load %arg4[%get3A_264, %get3A_265] {strides = array<i32>} : memref<2x16000xf32, #tpu.memory_space<vmem>>, vector<1x16xf32>,
        %get3A_267 = vector.shape_cast %get3A_266 : vector<1x16xf32> to vector<16xf32>
        %add3A_268 = arith.addf %get3A_258, %get3A_267 : vector<16xf32>
        %add3A_269 = arith.constant 256 : i32
        %add3A_270 = arith.addi %mul3A_135, %add3A_269 : i32
        %add3A_271 = arith.constant 32 : i32
        %add3A_272 = arith.addi %add3A_270, %add3A_271 : i32
        %get3A_273 = arith.constant 1 : i32
        %get3A_274 = arith.index_cast %get3A_273 : i32 to index
        %get3A_275 = arith.index_cast %add3A_272 : i32 to index
        %get3A_276 = tpu.vector_load %arg4[%get3A_274, %get3A_275] {strides = array<i32>} : memref<2x16000xf32, #tpu.memory_space<vmem>>, vector<1x16xf32>,
        %get3A_277 = vector.shape_cast %get3A_276 : vector<1x16xf32> to vector<16xf32>
        %add3A_278 = arith.addf %add3A_268, %get3A_277 : vector<16xf32>
        %add3A_279 = arith.constant 384 : i32
        %add3A_280 = arith.addi %mul3A_135, %add3A_279 : i32
        %add3A_281 = arith.constant 32 : i32
        %add3A_282 = arith.addi %add3A_280, %add3A_281 : i32
        %get3A_283 = arith.constant 1 : i32
        %get3A_284 = arith.index_cast %get3A_283 : i32 to index
        %get3A_285 = arith.index_cast %add3A_282 : i32 to index
        %get3A_286 = tpu.vector_load %arg4[%get3A_284, %get3A_285] {strides = array<i32>} : memref<2x16000xf32, #tpu.memory_space<vmem>>, vector<1x16xf32>,
        %get3A_287 = vector.shape_cast %get3A_286 : vector<1x16xf32> to vector<16xf32>
        %add3A_288 = arith.addf %add3A_278, %get3A_287 : vector<16xf32>
        %add3A_289 = arith.constant 512 : i32
        %add3A_290 = arith.addi %mul3A_135, %add3A_289 : i32
        %add3A_291 = arith.constant 32 : i32
        %add3A_292 = arith.addi %add3A_290, %add3A_291 : i32
        %get3A_293 = arith.constant 1 : i32
        %get3A_294 = arith.index_cast %get3A_293 : i32 to index
        %get3A_295 = arith.index_cast %add3A_292 : i32 to index
        %get3A_296 = tpu.vector_load %arg4[%get3A_294, %get3A_295] {strides = array<i32>} : memref<2x16000xf32, #tpu.memory_space<vmem>>, vector<1x16xf32>,
        %get3A_297 = vector.shape_cast %get3A_296 : vector<1x16xf32> to vector<16xf32>
        %add3A_298 = arith.addf %add3A_288, %get3A_297 : vector<16xf32>
        %mul3A_299 = arith.constant 2.000000e-01 : f32
        %mul3A_300 = vector.broadcast %mul3A_299 : f32 to vector<16xf32>
        %mul3A_301 = arith.mulf %add3A_298, %mul3A_300 : vector<16xf32>
        %add3A_302 = arith.constant 32 : i32
        %add3A_303 = arith.addi %mul3A_137, %add3A_302 : i32
        %swap3A_304 = arith.constant 1 : i32
        %swap3A_305 = arith.index_cast %swap3A_304 : i32 to index
        %swap3A_306 = arith.index_cast %add3A_303 : i32 to index
        %swap3A_307 = tpu.vector_load %arg5[%swap3A_305, %swap3A_306] {strides = array<i32>} : memref<2x3200xf32, #tpu.memory_space<vmem>>, vector<1x16xf32>,
        %swap3A_308 = vector.shape_cast %swap3A_307 : vector<1x16xf32> to vector<16xf32>
        %swap3A_309 = vector.shape_cast %mul3A_301 : vector<16xf32> to vector<1x16xf32>
        tpu.vector_store %arg5[%swap3A_305, %swap3A_306], %swap3A_309 {strides = array<i32>} : memref<2x3200xf32, #tpu.memory_space<vmem>>, vector<1x16xf32>,
        %add3A_310 = arith.constant 48 : i32
        %add3A_311 = arith.addi %mul3A_135, %add3A_310 : i32
        %get3A_312 = arith.constant 1 : i32
        %get3A_313 = arith.index_cast %get3A_312 : i32 to index
        %get3A_314 = arith.index_cast %add3A_311 : i32 to index
        %get3A_315 = tpu.vector_load %arg4[%get3A_313, %get3A_314] {strides = array<i32>} : memref<2x16000xf32, #tpu.memory_space<vmem>>, vector<1x16xf32>,
        %get3A_316 = vector.shape_cast %get3A_315 : vector<1x16xf32> to vector<16xf32>
        %add3A_317 = arith.constant 128 : i32
        %add3A_318 = arith.addi %mul3A_135, %add3A_317 : i32
        %add3A_319 = arith.constant 48 : i32
        %add3A_320 = arith.addi %add3A_318, %add3A_319 : i32
        %get3A_321 = arith.constant 1 : i32
        %get3A_322 = arith.index_cast %get3A_321 : i32 to index
        %get3A_323 = arith.index_cast %add3A_320 : i32 to index
        %get3A_324 = tpu.vector_load %arg4[%get3A_322, %get3A_323] {strides = array<i32>} : memref<2x16000xf32, #tpu.memory_space<vmem>>, vector<1x16xf32>,
        %get3A_325 = vector.shape_cast %get3A_324 : vector<1x16xf32> to vector<16xf32>
        %add3A_326 = arith.addf %get3A_316, %get3A_325 : vector<16xf32>
        %add3A_327 = arith.constant 256 : i32
        %add3A_328 = arith.addi %mul3A_135, %add3A_327 : i32
        %add3A_329 = arith.constant 48 : i32
        %add3A_330 = arith.addi %add3A_328, %add3A_329 : i32
        %get3A_331 = arith.constant 1 : i32
        %get3A_332 = arith.index_cast %get3A_331 : i32 to index
        %get3A_333 = arith.index_cast %add3A_330 : i32 to index
        %get3A_334 = tpu.vector_load %arg4[%get3A_332, %get3A_333] {strides = array<i32>} : memref<2x16000xf32, #tpu.memory_space<vmem>>, vector<1x16xf32>,
        %get3A_335 = vector.shape_cast %get3A_334 : vector<1x16xf32> to vector<16xf32>
        %add3A_336 = arith.addf %add3A_326, %get3A_335 : vector<16xf32>
        %add3A_337 = arith.constant 384 : i32
        %add3A_338 = arith.addi %mul3A_135, %add3A_337 : i32
        %add3A_339 = arith.constant 48 : i32
        %add3A_340 = arith.addi %add3A_338, %add3A_339 : i32
        %get3A_341 = arith.constant 1 : i32
        %get3A_342 = arith.index_cast %get3A_341 : i32 to index
        %get3A_343 = arith.index_cast %add3A_340 : i32 to index
        %get3A_344 = tpu.vector_load %arg4[%get3A_342, %get3A_343] {strides = array<i32>} : memref<2x16000xf32, #tpu.memory_space<vmem>>, vector<1x16xf32>,
        %get3A_345 = vector.shape_cast %get3A_344 : vector<1x16xf32> to vector<16xf32>
        %add3A_346 = arith.addf %add3A_336, %get3A_345 : vector<16xf32>
        %add3A_347 = arith.constant 512 : i32
        %add3A_348 = arith.addi %mul3A_135, %add3A_347 : i32
        %add3A_349 = arith.constant 48 : i32
        %add3A_350 = arith.addi %add3A_348, %add3A_349 : i32
        %get3A_351 = arith.constant 1 : i32
        %get3A_352 = arith.index_cast %get3A_351 : i32 to index
        %get3A_353 = arith.index_cast %add3A_350 : i32 to index
        %get3A_354 = tpu.vector_load %arg4[%get3A_352, %get3A_353] {strides = array<i32>} : memref<2x16000xf32, #tpu.memory_space<vmem>>, vector<1x16xf32>,
        %get3A_355 = vector.shape_cast %get3A_354 : vector<1x16xf32> to vector<16xf32>
        %add3A_356 = arith.addf %add3A_346, %get3A_355 : vector<16xf32>
        %mul3A_357 = arith.constant 2.000000e-01 : f32
        %mul3A_358 = vector.broadcast %mul3A_357 : f32 to vector<16xf32>
        %mul3A_359 = arith.mulf %add3A_356, %mul3A_358 : vector<16xf32>
        %add3A_360 = arith.constant 48 : i32
        %add3A_361 = arith.addi %mul3A_137, %add3A_360 : i32
        %swap3A_362 = arith.constant 1 : i32
        %swap3A_363 = arith.index_cast %swap3A_362 : i32 to index
        %swap3A_364 = arith.index_cast %add3A_361 : i32 to index
        %swap3A_365 = tpu.vector_load %arg5[%swap3A_363, %swap3A_364] {strides = array<i32>} : memref<2x3200xf32, #tpu.memory_space<vmem>>, vector<1x16xf32>,
        %swap3A_366 = vector.shape_cast %swap3A_365 : vector<1x16xf32> to vector<16xf32>
        %swap3A_367 = vector.shape_cast %mul3A_359 : vector<16xf32> to vector<1x16xf32>
        tpu.vector_store %arg5[%swap3A_363, %swap3A_364], %swap3A_367 {strides = array<i32>} : memref<2x3200xf32, #tpu.memory_space<vmem>>, vector<1x16xf32>,
        %add3A_368 = arith.constant 64 : i32
        %add3A_369 = arith.addi %mul3A_135, %add3A_368 : i32
        %get3A_370 = arith.constant 1 : i32
        %get3A_371 = arith.index_cast %get3A_370 : i32 to index
        %get3A_372 = arith.index_cast %add3A_369 : i32 to index
        %get3A_373 = tpu.vector_load %arg4[%get3A_371, %get3A_372] {strides = array<i32>} : memref<2x16000xf32, #tpu.memory_space<vmem>>, vector<1x16xf32>,
        %get3A_374 = vector.shape_cast %get3A_373 : vector<1x16xf32> to vector<16xf32>
        %add3A_375 = arith.constant 128 : i32
        %add3A_376 = arith.addi %mul3A_135, %add3A_375 : i32
        %add3A_377 = arith.constant 64 : i32
        %add3A_378 = arith.addi %add3A_376, %add3A_377 : i32
        %get3A_379 = arith.constant 1 : i32
        %get3A_380 = arith.index_cast %get3A_379 : i32 to index
        %get3A_381 = arith.index_cast %add3A_378 : i32 to index
        %get3A_382 = tpu.vector_load %arg4[%get3A_380, %get3A_381] {strides = array<i32>} : memref<2x16000xf32, #tpu.memory_space<vmem>>, vector<1x16xf32>,
        %get3A_383 = vector.shape_cast %get3A_382 : vector<1x16xf32> to vector<16xf32>
        %add3A_384 = arith.addf %get3A_374, %get3A_383 : vector<16xf32>
        %add3A_385 = arith.constant 256 : i32
        %add3A_386 = arith.addi %mul3A_135, %add3A_385 : i32
        %add3A_387 = arith.constant 64 : i32
        %add3A_388 = arith.addi %add3A_386, %add3A_387 : i32
        %get3A_389 = arith.constant 1 : i32
        %get3A_390 = arith.index_cast %get3A_389 : i32 to index
        %get3A_391 = arith.index_cast %add3A_388 : i32 to index
        %get3A_392 = tpu.vector_load %arg4[%get3A_390, %get3A_391] {strides = array<i32>} : memref<2x16000xf32, #tpu.memory_space<vmem>>, vector<1x16xf32>,
        %get3A_393 = vector.shape_cast %get3A_392 : vector<1x16xf32> to vector<16xf32>
        %add3A_394 = arith.addf %add3A_384, %get3A_393 : vector<16xf32>
        %add3A_395 = arith.constant 384 : i32
        %add3A_396 = arith.addi %mul3A_135, %add3A_395 : i32
        %add3A_397 = arith.constant 64 : i32
        %add3A_398 = arith.addi %add3A_396, %add3A_397 : i32
        %get3A_399 = arith.constant 1 : i32
        %get3A_400 = arith.index_cast %get3A_399 : i32 to index
        %get3A_401 = arith.index_cast %add3A_398 : i32 to index
        %get3A_402 = tpu.vector_load %arg4[%get3A_400, %get3A_401] {strides = array<i32>} : memref<2x16000xf32, #tpu.memory_space<vmem>>, vector<1x16xf32>,
        %get3A_403 = vector.shape_cast %get3A_402 : vector<1x16xf32> to vector<16xf32>
        %add3A_404 = arith.addf %add3A_394, %get3A_403 : vector<16xf32>
        %add3A_405 = arith.constant 512 : i32
        %add3A_406 = arith.addi %mul3A_135, %add3A_405 : i32
        %add3A_407 = arith.constant 64 : i32
        %add3A_408 = arith.addi %add3A_406, %add3A_407 : i32
        %get3A_409 = arith.constant 1 : i32
        %get3A_410 = arith.index_cast %get3A_409 : i32 to index
        %get3A_411 = arith.index_cast %add3A_408 : i32 to index
        %get3A_412 = tpu.vector_load %arg4[%get3A_410, %get3A_411] {strides = array<i32>} : memref<2x16000xf32, #tpu.memory_space<vmem>>, vector<1x16xf32>,
        %get3A_413 = vector.shape_cast %get3A_412 : vector<1x16xf32> to vector<16xf32>
        %add3A_414 = arith.addf %add3A_404, %get3A_413 : vector<16xf32>
        %mul3A_415 = arith.constant 2.000000e-01 : f32
        %mul3A_416 = vector.broadcast %mul3A_415 : f32 to vector<16xf32>
        %mul3A_417 = arith.mulf %add3A_414, %mul3A_416 : vector<16xf32>
        %add3A_418 = arith.constant 64 : i32
        %add3A_419 = arith.addi %mul3A_137, %add3A_418 : i32
        %swap3A_420 = arith.constant 1 : i32
        %swap3A_421 = arith.index_cast %swap3A_420 : i32 to index
        %swap3A_422 = arith.index_cast %add3A_419 : i32 to index
        %swap3A_423 = tpu.vector_load %arg5[%swap3A_421, %swap3A_422] {strides = array<i32>} : memref<2x3200xf32, #tpu.memory_space<vmem>>, vector<1x16xf32>,
        %swap3A_424 = vector.shape_cast %swap3A_423 : vector<1x16xf32> to vector<16xf32>
        %swap3A_425 = vector.shape_cast %mul3A_417 : vector<16xf32> to vector<1x16xf32>
        tpu.vector_store %arg5[%swap3A_421, %swap3A_422], %swap3A_425 {strides = array<i32>} : memref<2x3200xf32, #tpu.memory_space<vmem>>, vector<1x16xf32>,
        %add3A_426 = arith.constant 80 : i32
        %add3A_427 = arith.addi %mul3A_135, %add3A_426 : i32
        %get3A_428 = arith.constant 1 : i32
        %get3A_429 = arith.index_cast %get3A_428 : i32 to index
        %get3A_430 = arith.index_cast %add3A_427 : i32 to index
        %get3A_431 = tpu.vector_load %arg4[%get3A_429, %get3A_430] {strides = array<i32>} : memref<2x16000xf32, #tpu.memory_space<vmem>>, vector<1x16xf32>,
        %get3A_432 = vector.shape_cast %get3A_431 : vector<1x16xf32> to vector<16xf32>
        %add3A_433 = arith.constant 128 : i32
        %add3A_434 = arith.addi %mul3A_135, %add3A_433 : i32
        %add3A_435 = arith.constant 80 : i32
        %add3A_436 = arith.addi %add3A_434, %add3A_435 : i32
        %get3A_437 = arith.constant 1 : i32
        %get3A_438 = arith.index_cast %get3A_437 : i32 to index
        %get3A_439 = arith.index_cast %add3A_436 : i32 to index
        %get3A_440 = tpu.vector_load %arg4[%get3A_438, %get3A_439] {strides = array<i32>} : memref<2x16000xf32, #tpu.memory_space<vmem>>, vector<1x16xf32>,
        %get3A_441 = vector.shape_cast %get3A_440 : vector<1x16xf32> to vector<16xf32>
        %add3A_442 = arith.addf %get3A_432, %get3A_441 : vector<16xf32>
        %add3A_443 = arith.constant 256 : i32
        %add3A_444 = arith.addi %mul3A_135, %add3A_443 : i32
        %add3A_445 = arith.constant 80 : i32
        %add3A_446 = arith.addi %add3A_444, %add3A_445 : i32
        %get3A_447 = arith.constant 1 : i32
        %get3A_448 = arith.index_cast %get3A_447 : i32 to index
        %get3A_449 = arith.index_cast %add3A_446 : i32 to index
        %get3A_450 = tpu.vector_load %arg4[%get3A_448, %get3A_449] {strides = array<i32>} : memref<2x16000xf32, #tpu.memory_space<vmem>>, vector<1x16xf32>,
        %get3A_451 = vector.shape_cast %get3A_450 : vector<1x16xf32> to vector<16xf32>
        %add3A_452 = arith.addf %add3A_442, %get3A_451 : vector<16xf32>
        %add3A_453 = arith.constant 384 : i32
        %add3A_454 = arith.addi %mul3A_135, %add3A_453 : i32
        %add3A_455 = arith.constant 80 : i32
        %add3A_456 = arith.addi %add3A_454, %add3A_455 : i32
        %get3A_457 = arith.constant 1 : i32
        %get3A_458 = arith.index_cast %get3A_457 : i32 to index
        %get3A_459 = arith.index_cast %add3A_456 : i32 to index
        %get3A_460 = tpu.vector_load %arg4[%get3A_458, %get3A_459] {strides = array<i32>} : memref<2x16000xf32, #tpu.memory_space<vmem>>, vector<1x16xf32>,
        %get3A_461 = vector.shape_cast %get3A_460 : vector<1x16xf32> to vector<16xf32>
        %add3A_462 = arith.addf %add3A_452, %get3A_461 : vector<16xf32>
        %add3A_463 = arith.constant 512 : i32
        %add3A_464 = arith.addi %mul3A_135, %add3A_463 : i32
        %add3A_465 = arith.constant 80 : i32
        %add3A_466 = arith.addi %add3A_464, %add3A_465 : i32
        %get3A_467 = arith.constant 1 : i32
        %get3A_468 = arith.index_cast %get3A_467 : i32 to index
        %get3A_469 = arith.index_cast %add3A_466 : i32 to index
        %get3A_470 = tpu.vector_load %arg4[%get3A_468, %get3A_469] {strides = array<i32>} : memref<2x16000xf32, #tpu.memory_space<vmem>>, vector<1x16xf32>,
        %get3A_471 = vector.shape_cast %get3A_470 : vector<1x16xf32> to vector<16xf32>
        %add3A_472 = arith.addf %add3A_462, %get3A_471 : vector<16xf32>
        %mul3A_473 = arith.constant 2.000000e-01 : f32
        %mul3A_474 = vector.broadcast %mul3A_473 : f32 to vector<16xf32>
        %mul3A_475 = arith.mulf %add3A_472, %mul3A_474 : vector<16xf32>
        %add3A_476 = arith.constant 80 : i32
        %add3A_477 = arith.addi %mul3A_137, %add3A_476 : i32
        %swap3A_478 = arith.constant 1 : i32
        %swap3A_479 = arith.index_cast %swap3A_478 : i32 to index
        %swap3A_480 = arith.index_cast %add3A_477 : i32 to index
        %swap3A_481 = tpu.vector_load %arg5[%swap3A_479, %swap3A_480] {strides = array<i32>} : memref<2x3200xf32, #tpu.memory_space<vmem>>, vector<1x16xf32>,
        %swap3A_482 = vector.shape_cast %swap3A_481 : vector<1x16xf32> to vector<16xf32>
        %swap3A_483 = vector.shape_cast %mul3A_475 : vector<16xf32> to vector<1x16xf32>
        tpu.vector_store %arg5[%swap3A_479, %swap3A_480], %swap3A_483 {strides = array<i32>} : memref<2x3200xf32, #tpu.memory_space<vmem>>, vector<1x16xf32>,
        %add3A_484 = arith.constant 96 : i32
        %add3A_485 = arith.addi %mul3A_135, %add3A_484 : i32
        %get3A_486 = arith.constant 1 : i32
        %get3A_487 = arith.index_cast %get3A_486 : i32 to index
        %get3A_488 = arith.index_cast %add3A_485 : i32 to index
        %get3A_489 = tpu.vector_load %arg4[%get3A_487, %get3A_488] {strides = array<i32>} : memref<2x16000xf32, #tpu.memory_space<vmem>>, vector<1x16xf32>,
        %get3A_490 = vector.shape_cast %get3A_489 : vector<1x16xf32> to vector<16xf32>
        %add3A_491 = arith.constant 128 : i32
        %add3A_492 = arith.addi %mul3A_135, %add3A_491 : i32
        %add3A_493 = arith.constant 96 : i32
        %add3A_494 = arith.addi %add3A_492, %add3A_493 : i32
        %get3A_495 = arith.constant 1 : i32
        %get3A_496 = arith.index_cast %get3A_495 : i32 to index
        %get3A_497 = arith.index_cast %add3A_494 : i32 to index
        %get3A_498 = tpu.vector_load %arg4[%get3A_496, %get3A_497] {strides = array<i32>} : memref<2x16000xf32, #tpu.memory_space<vmem>>, vector<1x16xf32>,
        %get3A_499 = vector.shape_cast %get3A_498 : vector<1x16xf32> to vector<16xf32>
        %add3A_500 = arith.addf %get3A_490, %get3A_499 : vector<16xf32>
        %add3A_501 = arith.constant 256 : i32
        %add3A_502 = arith.addi %mul3A_135, %add3A_501 : i32
        %add3A_503 = arith.constant 96 : i32
        %add3A_504 = arith.addi %add3A_502, %add3A_503 : i32
        %get3A_505 = arith.constant 1 : i32
        %get3A_506 = arith.index_cast %get3A_505 : i32 to index
        %get3A_507 = arith.index_cast %add3A_504 : i32 to index
        %get3A_508 = tpu.vector_load %arg4[%get3A_506, %get3A_507] {strides = array<i32>} : memref<2x16000xf32, #tpu.memory_space<vmem>>, vector<1x16xf32>,
        %get3A_509 = vector.shape_cast %get3A_508 : vector<1x16xf32> to vector<16xf32>
        %add3A_510 = arith.addf %add3A_500, %get3A_509 : vector<16xf32>
        %add3A_511 = arith.constant 384 : i32
        %add3A_512 = arith.addi %mul3A_135, %add3A_511 : i32
        %add3A_513 = arith.constant 96 : i32
        %add3A_514 = arith.addi %add3A_512, %add3A_513 : i32
        %get3A_515 = arith.constant 1 : i32
        %get3A_516 = arith.index_cast %get3A_515 : i32 to index
        %get3A_517 = arith.index_cast %add3A_514 : i32 to index
        %get3A_518 = tpu.vector_load %arg4[%get3A_516, %get3A_517] {strides = array<i32>} : memref<2x16000xf32, #tpu.memory_space<vmem>>, vector<1x16xf32>,
        %get3A_519 = vector.shape_cast %get3A_518 : vector<1x16xf32> to vector<16xf32>
        %add3A_520 = arith.addf %add3A_510, %get3A_519 : vector<16xf32>
        %add3A_521 = arith.constant 512 : i32
        %add3A_522 = arith.addi %mul3A_135, %add3A_521 : i32
        %add3A_523 = arith.constant 96 : i32
        %add3A_524 = arith.addi %add3A_522, %add3A_523 : i32
        %get3A_525 = arith.constant 1 : i32
        %get3A_526 = arith.index_cast %get3A_525 : i32 to index
        %get3A_527 = arith.index_cast %add3A_524 : i32 to index
        %get3A_528 = tpu.vector_load %arg4[%get3A_526, %get3A_527] {strides = array<i32>} : memref<2x16000xf32, #tpu.memory_space<vmem>>, vector<1x16xf32>,
        %get3A_529 = vector.shape_cast %get3A_528 : vector<1x16xf32> to vector<16xf32>
        %add3A_530 = arith.addf %add3A_520, %get3A_529 : vector<16xf32>
        %mul3A_531 = arith.constant 2.000000e-01 : f32
        %mul3A_532 = vector.broadcast %mul3A_531 : f32 to vector<16xf32>
        %mul3A_533 = arith.mulf %add3A_530, %mul3A_532 : vector<16xf32>
        %add3A_534 = arith.constant 96 : i32
        %add3A_535 = arith.addi %mul3A_137, %add3A_534 : i32
        %swap3A_536 = arith.constant 1 : i32
        %swap3A_537 = arith.index_cast %swap3A_536 : i32 to index
        %swap3A_538 = arith.index_cast %add3A_535 : i32 to index
        %swap3A_539 = tpu.vector_load %arg5[%swap3A_537, %swap3A_538] {strides = array<i32>} : memref<2x3200xf32, #tpu.memory_space<vmem>>, vector<1x16xf32>,
        %swap3A_540 = vector.shape_cast %swap3A_539 : vector<1x16xf32> to vector<16xf32>
        %swap3A_541 = vector.shape_cast %mul3A_533 : vector<16xf32> to vector<1x16xf32>
        tpu.vector_store %arg5[%swap3A_537, %swap3A_538], %swap3A_541 {strides = array<i32>} : memref<2x3200xf32, #tpu.memory_space<vmem>>, vector<1x16xf32>,
        %add3A_542 = arith.constant 112 : i32
        %add3A_543 = arith.addi %mul3A_135, %add3A_542 : i32
        %get3A_544 = arith.constant 1 : i32
        %get3A_545 = arith.index_cast %get3A_544 : i32 to index
        %get3A_546 = arith.index_cast %add3A_543 : i32 to index
        %get3A_547 = tpu.vector_load %arg4[%get3A_545, %get3A_546] {strides = array<i32>} : memref<2x16000xf32, #tpu.memory_space<vmem>>, vector<1x16xf32>,
        %get3A_548 = vector.shape_cast %get3A_547 : vector<1x16xf32> to vector<16xf32>
        %add3A_549 = arith.constant 128 : i32
        %add3A_550 = arith.addi %mul3A_135, %add3A_549 : i32
        %add3A_551 = arith.constant 112 : i32
        %add3A_552 = arith.addi %add3A_550, %add3A_551 : i32
        %get3A_553 = arith.constant 1 : i32
        %get3A_554 = arith.index_cast %get3A_553 : i32 to index
        %get3A_555 = arith.index_cast %add3A_552 : i32 to index
        %get3A_556 = tpu.vector_load %arg4[%get3A_554, %get3A_555] {strides = array<i32>} : memref<2x16000xf32, #tpu.memory_space<vmem>>, vector<1x16xf32>,
        %get3A_557 = vector.shape_cast %get3A_556 : vector<1x16xf32> to vector<16xf32>
        %add3A_558 = arith.addf %get3A_548, %get3A_557 : vector<16xf32>
        %add3A_559 = arith.constant 256 : i32
        %add3A_560 = arith.addi %mul3A_135, %add3A_559 : i32
        %add3A_561 = arith.constant 112 : i32
        %add3A_562 = arith.addi %add3A_560, %add3A_561 : i32
        %get3A_563 = arith.constant 1 : i32
        %get3A_564 = arith.index_cast %get3A_563 : i32 to index
        %get3A_565 = arith.index_cast %add3A_562 : i32 to index
        %get3A_566 = tpu.vector_load %arg4[%get3A_564, %get3A_565] {strides = array<i32>} : memref<2x16000xf32, #tpu.memory_space<vmem>>, vector<1x16xf32>,
        %get3A_567 = vector.shape_cast %get3A_566 : vector<1x16xf32> to vector<16xf32>
        %add3A_568 = arith.addf %add3A_558, %get3A_567 : vector<16xf32>
        %add3A_569 = arith.constant 384 : i32
        %add3A_570 = arith.addi %mul3A_135, %add3A_569 : i32
        %add3A_571 = arith.constant 112 : i32
        %add3A_572 = arith.addi %add3A_570, %add3A_571 : i32
        %get3A_573 = arith.constant 1 : i32
        %get3A_574 = arith.index_cast %get3A_573 : i32 to index
        %get3A_575 = arith.index_cast %add3A_572 : i32 to index
        %get3A_576 = tpu.vector_load %arg4[%get3A_574, %get3A_575] {strides = array<i32>} : memref<2x16000xf32, #tpu.memory_space<vmem>>, vector<1x16xf32>,
        %get3A_577 = vector.shape_cast %get3A_576 : vector<1x16xf32> to vector<16xf32>
        %add3A_578 = arith.addf %add3A_568, %get3A_577 : vector<16xf32>
        %add3A_579 = arith.constant 512 : i32
        %add3A_580 = arith.addi %mul3A_135, %add3A_579 : i32
        %add3A_581 = arith.constant 112 : i32
        %add3A_582 = arith.addi %add3A_580, %add3A_581 : i32
        %get3A_583 = arith.constant 1 : i32
        %get3A_584 = arith.index_cast %get3A_583 : i32 to index
        %get3A_585 = arith.index_cast %add3A_582 : i32 to index
        %get3A_586 = tpu.vector_load %arg4[%get3A_584, %get3A_585] {strides = array<i32>} : memref<2x16000xf32, #tpu.memory_space<vmem>>, vector<1x16xf32>,
        %get3A_587 = vector.shape_cast %get3A_586 : vector<1x16xf32> to vector<16xf32>
        %add3A_588 = arith.addf %add3A_578, %get3A_587 : vector<16xf32>
        %mul3A_589 = arith.constant 2.000000e-01 : f32
        %mul3A_590 = vector.broadcast %mul3A_589 : f32 to vector<16xf32>
        %mul3A_591 = arith.mulf %add3A_588, %mul3A_590 : vector<16xf32>
        %add3A_592 = arith.constant 112 : i32
        %add3A_593 = arith.addi %mul3A_137, %add3A_592 : i32
        %swap3A_594 = arith.constant 1 : i32
        %swap3A_595 = arith.index_cast %swap3A_594 : i32 to index
        %swap3A_596 = arith.index_cast %add3A_593 : i32 to index
        %swap3A_597 = tpu.vector_load %arg5[%swap3A_595, %swap3A_596] {strides = array<i32>} : memref<2x3200xf32, #tpu.memory_space<vmem>>, vector<1x16xf32>,
        %swap3A_598 = vector.shape_cast %swap3A_597 : vector<1x16xf32> to vector<16xf32>
        %swap3A_599 = vector.shape_cast %mul3A_591 : vector<16xf32> to vector<1x16xf32>
        tpu.vector_store %arg5[%swap3A_595, %swap3A_596], %swap3A_599 {strides = array<i32>} : memref<2x3200xf32, #tpu.memory_space<vmem>>, vector<1x16xf32>,
      }
      %scan3A_120 = arith.constant 25 : i32
      %mul3A_121 = arith.constant 3200 : i32
      %mul3A_122 = arith.muli %add3A_47, %mul3A_121 : i32
      %add3A_123 = arith.addi %mul3A_4, %mul3A_122 : i32
      %dma_start3A_124 = arith.constant 1 : i32
      %dma_start3A_125 = arith.constant 0 : i32
      %dma_start3A_126 = tpu.memref_slice %arg5[%dma_start3A_124, %dma_start3A_125] : memref<2x3200xf32, #tpu.memory_space<vmem>> -> memref<1x3200xf32, #tpu.memory_space<vmem>>
      %dma_start3A_127 = tpu.memref_squeeze %dma_start3A_126 : memref<1x3200xf32, #tpu.memory_space<vmem>> -> memref<3200xf32, #tpu.memory_space<vmem>>
      %dma_start3A_128 = tpu.memref_slice %arg3[%add3A_123] : memref<1024000xf32, #tpu.memory_space<hbm>> -> memref<3200xf32, #tpu.memory_space<hbm>>
      %dma_start3A_129 = tpu.memref_slice %arg3[%add3A_123] : memref<1024000xf32, #tpu.memory_space<hbm>> -> memref<3200xf32, #tpu.memory_space<hbm>>
      %dma_start3A_130 = arith.constant 0 : i32
      %dma_start3A_131 = tpu.memref_slice %arg5[%dma_start3A_124, %dma_start3A_130] : memref<2x3200xf32, #tpu.memory_space<vmem>> -> memref<1x3200xf32, #tpu.memory_space<vmem>>
      %dma_start3A_132 = tpu.memref_squeeze %dma_start3A_131 : memref<1x3200xf32, #tpu.memory_space<vmem>> -> memref<3200xf32, #tpu.memory_space<vmem>>
      tpu.enqueue_dma source(%dma_start3A_132 : memref<3200xf32, #tpu.memory_space<vmem>>) target(%dma_start3A_129 : memref<3200xf32, #tpu.memory_space<hbm>>) target_semaphore(%arg9 : memref<!tpu.dma_semaphore, #tpu.memory_space<semaphore_mem>>)
    }
    %scan3A_19 = arith.constant 5 : i32
    %add3A_20 = arith.constant 25600 : i32
    %add3A_21 = arith.addi %mul3A_4, %add3A_20 : i32
    %dma_wait3A = arith.constant 0 : i32
    %dma_wait3A_22 = arith.constant 0 : i32
    %dma_wait3A_23 = tpu.memref_slice %arg5[%dma_wait3A, %dma_wait3A_22] : memref<2x3200xf32, #tpu.memory_space<vmem>> -> memref<1x3200xf32, #tpu.memory_space<vmem>>
    %dma_wait3A_24 = tpu.memref_squeeze %dma_wait3A_23 : memref<1x3200xf32, #tpu.memory_space<vmem>> -> memref<3200xf32, #tpu.memory_space<vmem>>
    %dma_wait3A_25 = tpu.memref_slice %arg3[%add3A_21] : memref<1024000xf32, #tpu.memory_space<hbm>> -> memref<3200xf32, #tpu.memory_space<hbm>>
    %dma_wait3A_26 = tpu.memref_slice %arg3[%add3A_21] : memref<1024000xf32, #tpu.memory_space<hbm>> -> memref<3200xf32, #tpu.memory_space<hbm>>
    %dma_wait3A_27 = arith.constant 0 : i32
    %dma_wait3A_28 = tpu.memref_slice %arg5[%dma_wait3A, %dma_wait3A_27] : memref<2x3200xf32, #tpu.memory_space<vmem>> -> memref<1x3200xf32, #tpu.memory_space<vmem>>
    %dma_wait3A_29 = tpu.memref_squeeze %dma_wait3A_28 : memref<1x3200xf32, #tpu.memory_space<vmem>> -> memref<3200xf32, #tpu.memory_space<vmem>>
    tpu.wait_dma2 semaphore(%arg8 : memref<!tpu.dma_semaphore, #tpu.memory_space<semaphore_mem>>) src(%dma_wait3A_29 : memref<3200xf32, #tpu.memory_space<vmem>>) dst(%dma_wait3A_26 : memref<3200xf32, #tpu.memory_space<hbm>>)
    %add3A_30 = arith.constant 28800 : i32
    %add3A_31 = arith.addi %mul3A_4, %add3A_30 : i32
    %dma_wait3A_32 = arith.constant 1 : i32
    %dma_wait3A_33 = arith.constant 0 : i32
    %dma_wait3A_34 = tpu.memref_slice %arg5[%dma_wait3A_32, %dma_wait3A_33] : memref<2x3200xf32, #tpu.memory_space<vmem>> -> memref<1x3200xf32, #tpu.memory_space<vmem>>
    %dma_wait3A_35 = tpu.memref_squeeze %dma_wait3A_34 : memref<1x3200xf32, #tpu.memory_space<vmem>> -> memref<3200xf32, #tpu.memory_space<vmem>>
    %dma_wait3A_36 = tpu.memref_slice %arg3[%add3A_31] : memref<1024000xf32, #tpu.memory_space<hbm>> -> memref<3200xf32, #tpu.memory_space<hbm>>
    %dma_wait3A_37 = tpu.memref_slice %arg3[%add3A_31] : memref<1024000xf32, #tpu.memory_space<hbm>> -> memref<3200xf32, #tpu.memory_space<hbm>>
    %dma_wait3A_38 = arith.constant 0 : i32
    %dma_wait3A_39 = tpu.memref_slice %arg5[%dma_wait3A_32, %dma_wait3A_38] : memref<2x3200xf32, #tpu.memory_space<vmem>> -> memref<1x3200xf32, #tpu.memory_space<vmem>>
    %dma_wait3A_40 = tpu.memref_squeeze %dma_wait3A_39 : memref<1x3200xf32, #tpu.memory_space<vmem>> -> memref<3200xf32, #tpu.memory_space<vmem>>
    tpu.wait_dma2 semaphore(%arg9 : memref<!tpu.dma_semaphore, #tpu.memory_space<semaphore_mem>>) src(%dma_wait3A_40 : memref<3200xf32, #tpu.memory_space<vmem>>) dst(%dma_wait3A_37 : memref<3200xf32, #tpu.memory_space<hbm>>)
    return
  }
}

module attributes {stable_mosaic.version = 14 : i64} {
  func.func @_block_from_x2(%arg0: i32, %arg1: memref<400x128xf32, #tpu.memory_space<vmem>>, %arg2: memref<4000x128xf32, #tpu.memory_space<vmem>>, %arg3: memref<20000x128xf32, #tpu.memory_space<vmem>>, %arg4: memref<128x128xf32, #tpu.memory_space<vmem>>, %arg5: memref<128x128xf32, #tpu.memory_space<vmem>>, %arg6: memref<1x128xf32, #tpu.memory_space<vmem>>, %arg7: memref<128x40xf32, #tpu.memory_space<vmem>>, %arg8: memref<128x40xf32, #tpu.memory_space<vmem>>, %arg9: memref<1x40xf32, #tpu.memory_space<vmem>>, %arg10: memref<400x40xf32, #tpu.memory_space<vmem>>) attributes {dimension_semantics = [#tpu.dimension_semantics<parallel>], iteration_bounds = array<i64: 23>, scalar_prefetch = 0 : i64, scratch_operands = 0 : i64, tpu.core_type = #tpu.core_type<tc>, window_params = [{transform_indices = @transform_0, window_bounds = array<i64: 400, 128>}, {transform_indices = @transform_1, window_bounds = array<i64: 4000, 128>}, {transform_indices = @transform_2, window_bounds = array<i64: 20000, 128>}, {pipeline_mode = #tpu.pipeline_mode<synchronous>, transform_indices = @transform_3, window_bounds = array<i64: 128, 128>}, {pipeline_mode = #tpu.pipeline_mode<synchronous>, transform_indices = @transform_4, window_bounds = array<i64: 128, 128>}, {pipeline_mode = #tpu.pipeline_mode<synchronous>, transform_indices = @transform_5, window_bounds = array<i64: 1, 128>}, {pipeline_mode = #tpu.pipeline_mode<synchronous>, transform_indices = @transform_6, window_bounds = array<i64: 128, 40>}, {pipeline_mode = #tpu.pipeline_mode<synchronous>, transform_indices = @transform_7, window_bounds = array<i64: 128, 40>}, {pipeline_mode = #tpu.pipeline_mode<synchronous>, transform_indices = @transform_8, window_bounds = array<i64: 1, 40>}, {transform_indices = @transform_9, window_bounds = array<i64: 400, 40>}]} {
    %get3A = arith.constant 0 : index
    %get3A_0 = arith.constant 0 : index
    %get3A_1 = vector.load %arg3[%get3A, %get3A_0] : memref<20000x128xf32, #tpu.memory_space<vmem>>, vector<20000x128xf32>
    %reshape3A = vector.shape_cast %get3A_1 : vector<20000x128xf32> to vector<500x40x128xf32>
    %iota3A = tpu.iota {dimensions = array<i32: 0>} : vector<8x40xi32>
    %iota3A_2 = tpu.iota {dimensions = array<i32: 1>} : vector<8x40xi32>
    %jit3A = arith.constant 5 : i32
    %div3A = vector.broadcast %jit3A : i32 to vector<8x40xi32>
    %div3A_3 = arith.divsi %iota3A_2, %div3A : vector<8x40xi32>
    %sign3A = arith.constant 0 : i32
    %sign3A_4 = vector.broadcast %sign3A : i32 to vector<8x40xi32>
    %sign3A_5 = arith.cmpi sgt, %iota3A_2, %sign3A_4 : vector<8x40xi32>
    %sign3A_6 = arith.extui %sign3A_5 : vector<8x40xi1> to vector<8x40xi32>
    %sign3A_7 = arith.constant 0 : i32
    %sign3A_8 = vector.broadcast %sign3A_7 : i32 to vector<8x40xi32>
    %sign3A_9 = arith.cmpi slt, %iota3A_2, %sign3A_8 : vector<8x40xi32>
    %sign3A_10 = arith.extui %sign3A_9 : vector<8x40xi1> to vector<8x40xi32>
    %sign3A_11 = arith.subi %sign3A_6, %sign3A_10 : vector<8x40xi32>
    %sign3A_12 = arith.constant 0 : i32
    %sign3A_13 = arith.cmpi sgt, %jit3A, %sign3A_12 : i32
    %sign3A_14 = arith.extui %sign3A_13 : i1 to i32
    %sign3A_15 = arith.constant 0 : i32
    %sign3A_16 = arith.cmpi slt, %jit3A, %sign3A_15 : i32
    %sign3A_17 = arith.extui %sign3A_16 : i1 to i32
    %sign3A_18 = arith.subi %sign3A_14, %sign3A_17 : i32
    %ne3A = vector.broadcast %sign3A_18 : i32 to vector<8x40xi32>
    %ne3A_19 = arith.cmpi ne, %sign3A_11, %ne3A : vector<8x40xi32>
    %rem3A = vector.broadcast %jit3A : i32 to vector<8x40xi32>
    %rem3A_20 = arith.remsi %iota3A_2, %rem3A : vector<8x40xi32>
    %ne3A_21 = arith.constant 0 : i32
    %ne3A_22 = vector.broadcast %ne3A_21 : i32 to vector<8x40xi32>
    %ne3A_23 = arith.cmpi ne, %rem3A_20, %ne3A_22 : vector<8x40xi32>
    %and3A = arith.andi %ne3A_19, %ne3A_23 : vector<8x40xi1>
    %sub3A = arith.constant 1 : i32
    %sub3A_24 = vector.broadcast %sub3A : i32 to vector<8x40xi32>
    %sub3A_25 = arith.subi %div3A_3, %sub3A_24 : vector<8x40xi32>
    %select_n3A = arith.select %and3A, %sub3A_25, %div3A_3 : vector<8x40xi1>, vector<8x40xi32>
    %eq3A = arith.cmpi eq, %select_n3A, %iota3A : vector<8x40xi32>
    %jit3A_26 = arith.constant 2.000000e-01 : f32
    %jit3A_27 = arith.constant 0.000000e+00 : f32
    %broadcast_in_dim3A = vector.broadcast %jit3A_26 : f32 to vector<8x40xf32>
    %broadcast_in_dim3A_28 = vector.broadcast %jit3A_27 : f32 to vector<8x40xf32>
    %select_n3A_29 = arith.select %eq3A, %broadcast_in_dim3A, %broadcast_in_dim3A_28 : vector<8x40xi1>, vector<8x40xf32>
    %broadcast_in_dim3A_30 = vector.shape_cast %select_n3A_29 : vector<8x40xf32> to vector<1x8x40xf32>
    %broadcast_in_dim3A_31 = vector.broadcast %broadcast_in_dim3A_30 : vector<1x8x40xf32> to vector<500x8x40xf32>
    %dot_general3A = arith.constant dense<0.000000e+00> : vector<500x8x128xf32>
    %dot_general3A_32 = tpu.matmul %broadcast_in_dim3A_31, %reshape3A, %dot_general3A {dimension_numbers = #tpu.dot_dimension_numbers<[2], [1], [1], [2], [0, 0, 0, 1, 1, 2], [0], [0]>, transpose_lhs_hint = false} : vector<500x8x40xf32>, vector<500x40x128xf32>, vector<500x8x128xf32> -> vector<500x8x128xf32>
    %reshape3A_33 = vector.shape_cast %dot_general3A_32 : vector<500x8x128xf32> to vector<4000x128xf32>
    %get3A_34 = arith.constant 0 : index
    %get3A_35 = arith.constant 0 : index
    %get3A_36 = vector.load %arg1[%get3A_34, %get3A_35] : memref<400x128xf32, #tpu.memory_space<vmem>>, vector<400x128xf32>
    %get3A_37 = arith.constant 0 : index
    %get3A_38 = arith.constant 0 : index
    %get3A_39 = vector.load %arg2[%get3A_37, %get3A_38] : memref<4000x128xf32, #tpu.memory_space<vmem>>, vector<4000x128xf32>
    %get3A_40 = arith.constant 0 : index
    %get3A_41 = arith.constant 0 : index
    %get3A_42 = vector.load %arg4[%get3A_40, %get3A_41] : memref<128x128xf32, #tpu.memory_space<vmem>>, vector<128x128xf32>
    %get3A_43 = arith.constant 0 : index
    %get3A_44 = arith.constant 0 : index
    %get3A_45 = vector.load %arg5[%get3A_43, %get3A_44] : memref<128x128xf32, #tpu.memory_space<vmem>>, vector<128x128xf32>
    %get3A_46 = arith.constant 0 : index
    %get3A_47 = arith.constant 0 : index
    %get3A_48 = vector.load %arg6[%get3A_46, %get3A_47] : memref<1x128xf32, #tpu.memory_space<vmem>>, vector<1x128xf32>
    %dot_general3A_49 = arith.constant dense<0.000000e+00> : vector<4000x128xf32>
    %dot_general3A_50 = tpu.matmul %get3A_39, %get3A_42, %dot_general3A_49 {dimension_numbers = #tpu.dot_dimension_numbers<[1], [0], [0], [1], [0, 0, 1, 1], [], []>, transpose_lhs_hint = false} : vector<4000x128xf32>, vector<128x128xf32>, vector<4000x128xf32> -> vector<4000x128xf32>
    %dot_general3A_51 = arith.constant dense<0.000000e+00> : vector<4000x128xf32>
    %dot_general3A_52 = tpu.matmul %reshape3A_33, %get3A_45, %dot_general3A_51 {dimension_numbers = #tpu.dot_dimension_numbers<[1], [0], [0], [1], [0, 0, 1, 1], [], []>, transpose_lhs_hint = false} : vector<4000x128xf32>, vector<128x128xf32>, vector<4000x128xf32> -> vector<4000x128xf32>
    %add3A = arith.addf %dot_general3A_50, %dot_general3A_52 : vector<4000x128xf32>
    %add3A_53 = vector.broadcast %get3A_48 : vector<1x128xf32> to vector<4000x128xf32>
    %add3A_54 = arith.addf %add3A, %add3A_53 : vector<4000x128xf32>
    %max3A = arith.constant 0.000000e+00 : f32
    %max3A_55 = vector.broadcast %max3A : f32 to vector<4000x128xf32>
    %max3A_56 = arith.maximumf %add3A_54, %max3A_55 : vector<4000x128xf32>
    %reshape3A_57 = vector.shape_cast %get3A_39 : vector<4000x128xf32> to vector<50x80x128xf32>
    %iota3A_58 = tpu.iota {dimensions = array<i32: 0>} : vector<8x80xi32>
    %iota3A_59 = tpu.iota {dimensions = array<i32: 1>} : vector<8x80xi32>
    %jit3A_60 = arith.constant 10 : i32
    %div3A_61 = vector.broadcast %jit3A_60 : i32 to vector<8x80xi32>
    %div3A_62 = arith.divsi %iota3A_59, %div3A_61 : vector<8x80xi32>
    %sign3A_63 = arith.constant 0 : i32
    %sign3A_64 = vector.broadcast %sign3A_63 : i32 to vector<8x80xi32>
    %sign3A_65 = arith.cmpi sgt, %iota3A_59, %sign3A_64 : vector<8x80xi32>
    %sign3A_66 = arith.extui %sign3A_65 : vector<8x80xi1> to vector<8x80xi32>
    %sign3A_67 = arith.constant 0 : i32
    %sign3A_68 = vector.broadcast %sign3A_67 : i32 to vector<8x80xi32>
    %sign3A_69 = arith.cmpi slt, %iota3A_59, %sign3A_68 : vector<8x80xi32>
    %sign3A_70 = arith.extui %sign3A_69 : vector<8x80xi1> to vector<8x80xi32>
    %sign3A_71 = arith.subi %sign3A_66, %sign3A_70 : vector<8x80xi32>
    %sign3A_72 = arith.constant 0 : i32
    %sign3A_73 = arith.cmpi sgt, %jit3A_60, %sign3A_72 : i32
    %sign3A_74 = arith.extui %sign3A_73 : i1 to i32
    %sign3A_75 = arith.constant 0 : i32
    %sign3A_76 = arith.cmpi slt, %jit3A_60, %sign3A_75 : i32
    %sign3A_77 = arith.extui %sign3A_76 : i1 to i32
    %sign3A_78 = arith.subi %sign3A_74, %sign3A_77 : i32
    %ne3A_79 = vector.broadcast %sign3A_78 : i32 to vector<8x80xi32>
    %ne3A_80 = arith.cmpi ne, %sign3A_71, %ne3A_79 : vector<8x80xi32>
    %rem3A_81 = vector.broadcast %jit3A_60 : i32 to vector<8x80xi32>
    %rem3A_82 = arith.remsi %iota3A_59, %rem3A_81 : vector<8x80xi32>
    %ne3A_83 = arith.constant 0 : i32
    %ne3A_84 = vector.broadcast %ne3A_83 : i32 to vector<8x80xi32>
    %ne3A_85 = arith.cmpi ne, %rem3A_82, %ne3A_84 : vector<8x80xi32>
    %and3A_86 = arith.andi %ne3A_80, %ne3A_85 : vector<8x80xi1>
    %sub3A_87 = arith.constant 1 : i32
    %sub3A_88 = vector.broadcast %sub3A_87 : i32 to vector<8x80xi32>
    %sub3A_89 = arith.subi %div3A_62, %sub3A_88 : vector<8x80xi32>
    %select_n3A_90 = arith.select %and3A_86, %sub3A_89, %div3A_62 : vector<8x80xi1>, vector<8x80xi32>
    %eq3A_91 = arith.cmpi eq, %select_n3A_90, %iota3A_58 : vector<8x80xi32>
    %jit3A_92 = arith.constant 1.000000e-01 : f32
    %jit3A_93 = arith.constant 0.000000e+00 : f32
    %broadcast_in_dim3A_94 = vector.broadcast %jit3A_92 : f32 to vector<8x80xf32>
    %broadcast_in_dim3A_95 = vector.broadcast %jit3A_93 : f32 to vector<8x80xf32>
    %select_n3A_96 = arith.select %eq3A_91, %broadcast_in_dim3A_94, %broadcast_in_dim3A_95 : vector<8x80xi1>, vector<8x80xf32>
    %broadcast_in_dim3A_97 = vector.shape_cast %select_n3A_96 : vector<8x80xf32> to vector<1x8x80xf32>
    %broadcast_in_dim3A_98 = vector.broadcast %broadcast_in_dim3A_97 : vector<1x8x80xf32> to vector<50x8x80xf32>
    %dot_general3A_99 = arith.constant dense<0.000000e+00> : vector<50x8x128xf32>
    %dot_general3A_100 = tpu.matmul %broadcast_in_dim3A_98, %reshape3A_57, %dot_general3A_99 {dimension_numbers = #tpu.dot_dimension_numbers<[2], [1], [1], [2], [0, 0, 0, 1, 1, 2], [0], [0]>, transpose_lhs_hint = false} : vector<50x8x80xf32>, vector<50x80x128xf32>, vector<50x8x128xf32> -> vector<50x8x128xf32>
    %reshape3A_101 = vector.shape_cast %dot_general3A_100 : vector<50x8x128xf32> to vector<400x128xf32>
    %reshape3A_102 = vector.shape_cast %max3A_56 : vector<4000x128xf32> to vector<50x80x128xf32>
    %iota3A_103 = tpu.iota {dimensions = array<i32: 0>} : vector<8x80xi32>
    %iota3A_104 = tpu.iota {dimensions = array<i32: 1>} : vector<8x80xi32>
    %jit3A_105 = arith.constant 10 : i32
    %div3A_106 = vector.broadcast %jit3A_105 : i32 to vector<8x80xi32>
    %div3A_107 = arith.divsi %iota3A_104, %div3A_106 : vector<8x80xi32>
    %sign3A_108 = arith.constant 0 : i32
    %sign3A_109 = vector.broadcast %sign3A_108 : i32 to vector<8x80xi32>
    %sign3A_110 = arith.cmpi sgt, %iota3A_104, %sign3A_109 : vector<8x80xi32>
    %sign3A_111 = arith.extui %sign3A_110 : vector<8x80xi1> to vector<8x80xi32>
    %sign3A_112 = arith.constant 0 : i32
    %sign3A_113 = vector.broadcast %sign3A_112 : i32 to vector<8x80xi32>
    %sign3A_114 = arith.cmpi slt, %iota3A_104, %sign3A_113 : vector<8x80xi32>
    %sign3A_115 = arith.extui %sign3A_114 : vector<8x80xi1> to vector<8x80xi32>
    %sign3A_116 = arith.subi %sign3A_111, %sign3A_115 : vector<8x80xi32>
    %sign3A_117 = arith.constant 0 : i32
    %sign3A_118 = arith.cmpi sgt, %jit3A_105, %sign3A_117 : i32
    %sign3A_119 = arith.extui %sign3A_118 : i1 to i32
    %sign3A_120 = arith.constant 0 : i32
    %sign3A_121 = arith.cmpi slt, %jit3A_105, %sign3A_120 : i32
    %sign3A_122 = arith.extui %sign3A_121 : i1 to i32
    %sign3A_123 = arith.subi %sign3A_119, %sign3A_122 : i32
    %ne3A_124 = vector.broadcast %sign3A_123 : i32 to vector<8x80xi32>
    %ne3A_125 = arith.cmpi ne, %sign3A_116, %ne3A_124 : vector<8x80xi32>
    %rem3A_126 = vector.broadcast %jit3A_105 : i32 to vector<8x80xi32>
    %rem3A_127 = arith.remsi %iota3A_104, %rem3A_126 : vector<8x80xi32>
    %ne3A_128 = arith.constant 0 : i32
    %ne3A_129 = vector.broadcast %ne3A_128 : i32 to vector<8x80xi32>
    %ne3A_130 = arith.cmpi ne, %rem3A_127, %ne3A_129 : vector<8x80xi32>
    %and3A_131 = arith.andi %ne3A_125, %ne3A_130 : vector<8x80xi1>
    %sub3A_132 = arith.constant 1 : i32
    %sub3A_133 = vector.broadcast %sub3A_132 : i32 to vector<8x80xi32>
    %sub3A_134 = arith.subi %div3A_107, %sub3A_133 : vector<8x80xi32>
    %select_n3A_135 = arith.select %and3A_131, %sub3A_134, %div3A_107 : vector<8x80xi1>, vector<8x80xi32>
    %eq3A_136 = arith.cmpi eq, %select_n3A_135, %iota3A_103 : vector<8x80xi32>
    %jit3A_137 = arith.constant 1.000000e-01 : f32
    %jit3A_138 = arith.constant 0.000000e+00 : f32
    %broadcast_in_dim3A_139 = vector.broadcast %jit3A_137 : f32 to vector<8x80xf32>
    %broadcast_in_dim3A_140 = vector.broadcast %jit3A_138 : f32 to vector<8x80xf32>
    %select_n3A_141 = arith.select %eq3A_136, %broadcast_in_dim3A_139, %broadcast_in_dim3A_140 : vector<8x80xi1>, vector<8x80xf32>
    %broadcast_in_dim3A_142 = vector.shape_cast %select_n3A_141 : vector<8x80xf32> to vector<1x8x80xf32>
    %broadcast_in_dim3A_143 = vector.broadcast %broadcast_in_dim3A_142 : vector<1x8x80xf32> to vector<50x8x80xf32>
    %dot_general3A_144 = arith.constant dense<0.000000e+00> : vector<50x8x128xf32>
    %dot_general3A_145 = tpu.matmul %broadcast_in_dim3A_143, %reshape3A_102, %dot_general3A_144 {dimension_numbers = #tpu.dot_dimension_numbers<[2], [1], [1], [2], [0, 0, 0, 1, 1, 2], [0], [0]>, transpose_lhs_hint = false} : vector<50x8x80xf32>, vector<50x80x128xf32>, vector<50x8x128xf32> -> vector<50x8x128xf32>
    %reshape3A_146 = vector.shape_cast %dot_general3A_145 : vector<50x8x128xf32> to vector<400x128xf32>
    %dot_general3A_147 = arith.constant dense<0.000000e+00> : vector<400x128xf32>
    %dot_general3A_148 = tpu.matmul %get3A_36, %get3A_42, %dot_general3A_147 {dimension_numbers = #tpu.dot_dimension_numbers<[1], [0], [0], [1], [0, 0, 1, 1], [], []>, transpose_lhs_hint = false} : vector<400x128xf32>, vector<128x128xf32>, vector<400x128xf32> -> vector<400x128xf32>
    %dot_general3A_149 = arith.constant dense<0.000000e+00> : vector<400x128xf32>
    %dot_general3A_150 = tpu.matmul %reshape3A_101, %get3A_45, %dot_general3A_149 {dimension_numbers = #tpu.dot_dimension_numbers<[1], [0], [0], [1], [0, 0, 1, 1], [], []>, transpose_lhs_hint = false} : vector<400x128xf32>, vector<128x128xf32>, vector<400x128xf32> -> vector<400x128xf32>
    %add3A_151 = arith.addf %dot_general3A_148, %dot_general3A_150 : vector<400x128xf32>
    %add3A_152 = vector.broadcast %get3A_48 : vector<1x128xf32> to vector<400x128xf32>
    %add3A_153 = arith.addf %add3A_151, %add3A_152 : vector<400x128xf32>
    %max3A_154 = arith.constant 0.000000e+00 : f32
    %max3A_155 = vector.broadcast %max3A_154 : f32 to vector<400x128xf32>
    %max3A_156 = arith.maximumf %add3A_153, %max3A_155 : vector<400x128xf32>
    %get3A_157 = arith.constant 0 : index
    %get3A_158 = arith.constant 0 : index
    %get3A_159 = vector.load %arg7[%get3A_157, %get3A_158] : memref<128x40xf32, #tpu.memory_space<vmem>>, vector<128x40xf32>
    %dot_general3A_160 = arith.constant dense<0.000000e+00> : vector<400x40xf32>
    %dot_general3A_161 = tpu.matmul %max3A_156, %get3A_159, %dot_general3A_160 {dimension_numbers = #tpu.dot_dimension_numbers<[1], [0], [0], [1], [0, 0, 1, 1], [], []>, transpose_lhs_hint = false} : vector<400x128xf32>, vector<128x40xf32>, vector<400x40xf32> -> vector<400x40xf32>
    %get3A_162 = arith.constant 0 : index
    %get3A_163 = arith.constant 0 : index
    %get3A_164 = vector.load %arg8[%get3A_162, %get3A_163] : memref<128x40xf32, #tpu.memory_space<vmem>>, vector<128x40xf32>
    %dot_general3A_165 = arith.constant dense<0.000000e+00> : vector<400x40xf32>
    %dot_general3A_166 = tpu.matmul %reshape3A_146, %get3A_164, %dot_general3A_165 {dimension_numbers = #tpu.dot_dimension_numbers<[1], [0], [0], [1], [0, 0, 1, 1], [], []>, transpose_lhs_hint = false} : vector<400x128xf32>, vector<128x40xf32>, vector<400x40xf32> -> vector<400x40xf32>
    %add3A_167 = arith.addf %dot_general3A_161, %dot_general3A_166 : vector<400x40xf32>
    %get3A_168 = arith.constant 0 : index
    %get3A_169 = arith.constant 0 : index
    %get3A_170 = vector.load %arg9[%get3A_168, %get3A_169] : memref<1x40xf32, #tpu.memory_space<vmem>>, vector<1x40xf32>
    %add3A_171 = vector.broadcast %get3A_170 : vector<1x40xf32> to vector<400x40xf32>
    %add3A_172 = arith.addf %add3A_167, %add3A_171 : vector<400x40xf32>
    %reduce_max3A = arith.constant dense<0xFF800000> : vector<400xf32>
    %reduce_max3A_173 = vector.multi_reduction <maximumf>, %add3A_172, %reduce_max3A [1] : vector<400x40xf32> to vector<400xf32>
    %broadcast_in_dim3A_174 = vector.shape_cast %reduce_max3A_173 : vector<400xf32> to vector<400x1xf32>
    %sub3A_175 = vector.broadcast %broadcast_in_dim3A_174 : vector<400x1xf32> to vector<400x40xf32>
    %sub3A_176 = arith.subf %add3A_172, %sub3A_175 : vector<400x40xf32>
    %exp3A = math.exp %sub3A_176 : vector<400x40xf32>
    %reduce_sum3A = arith.constant dense<0.000000e+00> : vector<400xf32>
    %reduce_sum3A_177 = vector.multi_reduction <add>, %exp3A, %reduce_sum3A [1] : vector<400x40xf32> to vector<400xf32>
    %broadcast_in_dim3A_178 = vector.shape_cast %reduce_sum3A_177 : vector<400xf32> to vector<400x1xf32>
    %log3A = math.log %broadcast_in_dim3A_178 : vector<400x1xf32>
    %sub3A_179 = vector.broadcast %log3A : vector<400x1xf32> to vector<400x40xf32>
    %sub3A_180 = arith.subf %sub3A_176, %sub3A_179 : vector<400x40xf32>
    %swap3A = arith.constant 0 : index
    %swap3A_181 = arith.constant 0 : index
    %swap3A_182 = vector.load %arg10[%swap3A, %swap3A_181] : memref<400x40xf32, #tpu.memory_space<vmem>>, vector<400x40xf32>
    tpu.vector_store %arg10[%swap3A, %swap3A_181], %sub3A_180 {strides = array<i32>} : memref<400x40xf32, #tpu.memory_space<vmem>>, vector<400x40xf32>,
    return
  }
  func.func @transform_0(%arg0: i32) -> (i32, i32) {
    %add3A = arith.constant 2 : i32
    %add3A_0 = arith.addi %arg0, %add3A : i32
    %c0_i32 = arith.constant 0 : i32
    %c0_i32_1 = arith.constant 0 : i32
    return %add3A_0, %c0_i32 : i32, i32
  }
  func.func @transform_1(%arg0: i32) -> (i32, i32) {
    %add3A = arith.constant 2 : i32
    %add3A_0 = arith.addi %arg0, %add3A : i32
    %c0_i32 = arith.constant 0 : i32
    %c0_i32_1 = arith.constant 0 : i32
    return %add3A_0, %c0_i32 : i32, i32
  }
  func.func @transform_2(%arg0: i32) -> (i32, i32) {
    %add3A = arith.constant 2 : i32
    %add3A_0 = arith.addi %arg0, %add3A : i32
    %c0_i32 = arith.constant 0 : i32
    %c0_i32_1 = arith.constant 0 : i32
    return %add3A_0, %c0_i32 : i32, i32
  }
  func.func @transform_3(%arg0: i32) -> (i32, i32) {
    %c0_i32 = arith.constant 0 : i32
    %c0_i32_0 = arith.constant 0 : i32
    %c0_i32_1 = arith.constant 0 : i32
    return %c0_i32, %c0_i32_0 : i32, i32
  }
  func.func @transform_4(%arg0: i32) -> (i32, i32) {
    %c0_i32 = arith.constant 0 : i32
    %c0_i32_0 = arith.constant 0 : i32
    %c0_i32_1 = arith.constant 0 : i32
    return %c0_i32, %c0_i32_0 : i32, i32
  }
  func.func @transform_5(%arg0: i32) -> (i32, i32) {
    %c0_i32 = arith.constant 0 : i32
    %c0_i32_0 = arith.constant 0 : i32
    %c0_i32_1 = arith.constant 0 : i32
    return %c0_i32, %c0_i32_0 : i32, i32
  }
  func.func @transform_6(%arg0: i32) -> (i32, i32) {
    %c0_i32 = arith.constant 0 : i32
    %c0_i32_0 = arith.constant 0 : i32
    %c0_i32_1 = arith.constant 0 : i32
    return %c0_i32, %c0_i32_0 : i32, i32
  }
  func.func @transform_7(%arg0: i32) -> (i32, i32) {
    %c0_i32 = arith.constant 0 : i32
    %c0_i32_0 = arith.constant 0 : i32
    %c0_i32_1 = arith.constant 0 : i32
    return %c0_i32, %c0_i32_0 : i32, i32
  }
  func.func @transform_8(%arg0: i32) -> (i32, i32) {
    %c0_i32 = arith.constant 0 : i32
    %c0_i32_0 = arith.constant 0 : i32
    %c0_i32_1 = arith.constant 0 : i32
    return %c0_i32, %c0_i32_0 : i32, i32
  }
  func.func @transform_9(%arg0: i32) -> (i32, i32) {
    %c0_i32 = arith.constant 0 : i32
    %c0_i32_0 = arith.constant 0 : i32
    return %arg0, %c0_i32 : i32, i32
  }
}

module attributes {stable_mosaic.version = 14 : i64} {
  func.func @_block_from_agg2(%arg0: i32, %arg1: memref<400x128xf32, #tpu.memory_space<vmem>>, %arg2: memref<4000x128xf32, #tpu.memory_space<vmem>>, %arg3: memref<4000x128xf32, #tpu.memory_space<vmem>>, %arg4: memref<128x128xf32, #tpu.memory_space<vmem>>, %arg5: memref<128x128xf32, #tpu.memory_space<vmem>>, %arg6: memref<1x128xf32, #tpu.memory_space<vmem>>, %arg7: memref<128x40xf32, #tpu.memory_space<vmem>>, %arg8: memref<128x40xf32, #tpu.memory_space<vmem>>, %arg9: memref<1x40xf32, #tpu.memory_space<vmem>>, %arg10: memref<400x40xf32, #tpu.memory_space<vmem>>) attributes {dimension_semantics = [#tpu.dimension_semantics<parallel>], iteration_bounds = array<i64: 2>, scalar_prefetch = 0 : i64, scratch_operands = 0 : i64, tpu.core_type = #tpu.core_type<tc>, window_params = [{transform_indices = @transform_0, window_bounds = array<i64: 400, 128>}, {transform_indices = @transform_1, window_bounds = array<i64: 4000, 128>}, {transform_indices = @transform_2, window_bounds = array<i64: 4000, 128>}, {pipeline_mode = #tpu.pipeline_mode<synchronous>, transform_indices = @transform_3, window_bounds = array<i64: 128, 128>}, {pipeline_mode = #tpu.pipeline_mode<synchronous>, transform_indices = @transform_4, window_bounds = array<i64: 128, 128>}, {pipeline_mode = #tpu.pipeline_mode<synchronous>, transform_indices = @transform_5, window_bounds = array<i64: 1, 128>}, {pipeline_mode = #tpu.pipeline_mode<synchronous>, transform_indices = @transform_6, window_bounds = array<i64: 128, 40>}, {pipeline_mode = #tpu.pipeline_mode<synchronous>, transform_indices = @transform_7, window_bounds = array<i64: 128, 40>}, {pipeline_mode = #tpu.pipeline_mode<synchronous>, transform_indices = @transform_8, window_bounds = array<i64: 1, 40>}, {transform_indices = @transform_9, window_bounds = array<i64: 400, 40>}]} {
    %get3A = arith.constant 0 : index
    %get3A_0 = arith.constant 0 : index
    %get3A_1 = vector.load %arg1[%get3A, %get3A_0] : memref<400x128xf32, #tpu.memory_space<vmem>>, vector<400x128xf32>
    %get3A_2 = arith.constant 0 : index
    %get3A_3 = arith.constant 0 : index
    %get3A_4 = vector.load %arg2[%get3A_2, %get3A_3] : memref<4000x128xf32, #tpu.memory_space<vmem>>, vector<4000x128xf32>
    %get3A_5 = arith.constant 0 : index
    %get3A_6 = arith.constant 0 : index
    %get3A_7 = vector.load %arg3[%get3A_5, %get3A_6] : memref<4000x128xf32, #tpu.memory_space<vmem>>, vector<4000x128xf32>
    %get3A_8 = arith.constant 0 : index
    %get3A_9 = arith.constant 0 : index
    %get3A_10 = vector.load %arg4[%get3A_8, %get3A_9] : memref<128x128xf32, #tpu.memory_space<vmem>>, vector<128x128xf32>
    %get3A_11 = arith.constant 0 : index
    %get3A_12 = arith.constant 0 : index
    %get3A_13 = vector.load %arg5[%get3A_11, %get3A_12] : memref<128x128xf32, #tpu.memory_space<vmem>>, vector<128x128xf32>
    %get3A_14 = arith.constant 0 : index
    %get3A_15 = arith.constant 0 : index
    %get3A_16 = vector.load %arg6[%get3A_14, %get3A_15] : memref<1x128xf32, #tpu.memory_space<vmem>>, vector<1x128xf32>
    %dot_general3A = arith.constant dense<0.000000e+00> : vector<4000x128xf32>
    %dot_general3A_17 = tpu.matmul %get3A_4, %get3A_10, %dot_general3A {dimension_numbers = #tpu.dot_dimension_numbers<[1], [0], [0], [1], [0, 0, 1, 1], [], []>, transpose_lhs_hint = false} : vector<4000x128xf32>, vector<128x128xf32>, vector<4000x128xf32> -> vector<4000x128xf32>
    %dot_general3A_18 = arith.constant dense<0.000000e+00> : vector<4000x128xf32>
    %dot_general3A_19 = tpu.matmul %get3A_7, %get3A_13, %dot_general3A_18 {dimension_numbers = #tpu.dot_dimension_numbers<[1], [0], [0], [1], [0, 0, 1, 1], [], []>, transpose_lhs_hint = false} : vector<4000x128xf32>, vector<128x128xf32>, vector<4000x128xf32> -> vector<4000x128xf32>
    %add3A = arith.addf %dot_general3A_17, %dot_general3A_19 : vector<4000x128xf32>
    %add3A_20 = vector.broadcast %get3A_16 : vector<1x128xf32> to vector<4000x128xf32>
    %add3A_21 = arith.addf %add3A, %add3A_20 : vector<4000x128xf32>
    %max3A = arith.constant 0.000000e+00 : f32
    %max3A_22 = vector.broadcast %max3A : f32 to vector<4000x128xf32>
    %max3A_23 = arith.maximumf %add3A_21, %max3A_22 : vector<4000x128xf32>
    %reshape3A = vector.shape_cast %get3A_4 : vector<4000x128xf32> to vector<50x80x128xf32>
    %iota3A = tpu.iota {dimensions = array<i32: 0>} : vector<8x80xi32>
    %iota3A_24 = tpu.iota {dimensions = array<i32: 1>} : vector<8x80xi32>
    %jit3A = arith.constant 10 : i32
    %div3A = vector.broadcast %jit3A : i32 to vector<8x80xi32>
    %div3A_25 = arith.divsi %iota3A_24, %div3A : vector<8x80xi32>
    %sign3A = arith.constant 0 : i32
    %sign3A_26 = vector.broadcast %sign3A : i32 to vector<8x80xi32>
    %sign3A_27 = arith.cmpi sgt, %iota3A_24, %sign3A_26 : vector<8x80xi32>
    %sign3A_28 = arith.extui %sign3A_27 : vector<8x80xi1> to vector<8x80xi32>
    %sign3A_29 = arith.constant 0 : i32
    %sign3A_30 = vector.broadcast %sign3A_29 : i32 to vector<8x80xi32>
    %sign3A_31 = arith.cmpi slt, %iota3A_24, %sign3A_30 : vector<8x80xi32>
    %sign3A_32 = arith.extui %sign3A_31 : vector<8x80xi1> to vector<8x80xi32>
    %sign3A_33 = arith.subi %sign3A_28, %sign3A_32 : vector<8x80xi32>
    %sign3A_34 = arith.constant 0 : i32
    %sign3A_35 = arith.cmpi sgt, %jit3A, %sign3A_34 : i32
    %sign3A_36 = arith.extui %sign3A_35 : i1 to i32
    %sign3A_37 = arith.constant 0 : i32
    %sign3A_38 = arith.cmpi slt, %jit3A, %sign3A_37 : i32
    %sign3A_39 = arith.extui %sign3A_38 : i1 to i32
    %sign3A_40 = arith.subi %sign3A_36, %sign3A_39 : i32
    %ne3A = vector.broadcast %sign3A_40 : i32 to vector<8x80xi32>
    %ne3A_41 = arith.cmpi ne, %sign3A_33, %ne3A : vector<8x80xi32>
    %rem3A = vector.broadcast %jit3A : i32 to vector<8x80xi32>
    %rem3A_42 = arith.remsi %iota3A_24, %rem3A : vector<8x80xi32>
    %ne3A_43 = arith.constant 0 : i32
    %ne3A_44 = vector.broadcast %ne3A_43 : i32 to vector<8x80xi32>
    %ne3A_45 = arith.cmpi ne, %rem3A_42, %ne3A_44 : vector<8x80xi32>
    %and3A = arith.andi %ne3A_41, %ne3A_45 : vector<8x80xi1>
    %sub3A = arith.constant 1 : i32
    %sub3A_46 = vector.broadcast %sub3A : i32 to vector<8x80xi32>
    %sub3A_47 = arith.subi %div3A_25, %sub3A_46 : vector<8x80xi32>
    %select_n3A = arith.select %and3A, %sub3A_47, %div3A_25 : vector<8x80xi1>, vector<8x80xi32>
    %eq3A = arith.cmpi eq, %select_n3A, %iota3A : vector<8x80xi32>
    %jit3A_48 = arith.constant 1.000000e-01 : f32
    %jit3A_49 = arith.constant 0.000000e+00 : f32
    %broadcast_in_dim3A = vector.broadcast %jit3A_48 : f32 to vector<8x80xf32>
    %broadcast_in_dim3A_50 = vector.broadcast %jit3A_49 : f32 to vector<8x80xf32>
    %select_n3A_51 = arith.select %eq3A, %broadcast_in_dim3A, %broadcast_in_dim3A_50 : vector<8x80xi1>, vector<8x80xf32>
    %broadcast_in_dim3A_52 = vector.shape_cast %select_n3A_51 : vector<8x80xf32> to vector<1x8x80xf32>
    %broadcast_in_dim3A_53 = vector.broadcast %broadcast_in_dim3A_52 : vector<1x8x80xf32> to vector<50x8x80xf32>
    %dot_general3A_54 = arith.constant dense<0.000000e+00> : vector<50x8x128xf32>
    %dot_general3A_55 = tpu.matmul %broadcast_in_dim3A_53, %reshape3A, %dot_general3A_54 {dimension_numbers = #tpu.dot_dimension_numbers<[2], [1], [1], [2], [0, 0, 0, 1, 1, 2], [0], [0]>, transpose_lhs_hint = false} : vector<50x8x80xf32>, vector<50x80x128xf32>, vector<50x8x128xf32> -> vector<50x8x128xf32>
    %reshape3A_56 = vector.shape_cast %dot_general3A_55 : vector<50x8x128xf32> to vector<400x128xf32>
    %reshape3A_57 = vector.shape_cast %max3A_23 : vector<4000x128xf32> to vector<50x80x128xf32>
    %iota3A_58 = tpu.iota {dimensions = array<i32: 0>} : vector<8x80xi32>
    %iota3A_59 = tpu.iota {dimensions = array<i32: 1>} : vector<8x80xi32>
    %jit3A_60 = arith.constant 10 : i32
    %div3A_61 = vector.broadcast %jit3A_60 : i32 to vector<8x80xi32>
    %div3A_62 = arith.divsi %iota3A_59, %div3A_61 : vector<8x80xi32>
    %sign3A_63 = arith.constant 0 : i32
    %sign3A_64 = vector.broadcast %sign3A_63 : i32 to vector<8x80xi32>
    %sign3A_65 = arith.cmpi sgt, %iota3A_59, %sign3A_64 : vector<8x80xi32>
    %sign3A_66 = arith.extui %sign3A_65 : vector<8x80xi1> to vector<8x80xi32>
    %sign3A_67 = arith.constant 0 : i32
    %sign3A_68 = vector.broadcast %sign3A_67 : i32 to vector<8x80xi32>
    %sign3A_69 = arith.cmpi slt, %iota3A_59, %sign3A_68 : vector<8x80xi32>
    %sign3A_70 = arith.extui %sign3A_69 : vector<8x80xi1> to vector<8x80xi32>
    %sign3A_71 = arith.subi %sign3A_66, %sign3A_70 : vector<8x80xi32>
    %sign3A_72 = arith.constant 0 : i32
    %sign3A_73 = arith.cmpi sgt, %jit3A_60, %sign3A_72 : i32
    %sign3A_74 = arith.extui %sign3A_73 : i1 to i32
    %sign3A_75 = arith.constant 0 : i32
    %sign3A_76 = arith.cmpi slt, %jit3A_60, %sign3A_75 : i32
    %sign3A_77 = arith.extui %sign3A_76 : i1 to i32
    %sign3A_78 = arith.subi %sign3A_74, %sign3A_77 : i32
    %ne3A_79 = vector.broadcast %sign3A_78 : i32 to vector<8x80xi32>
    %ne3A_80 = arith.cmpi ne, %sign3A_71, %ne3A_79 : vector<8x80xi32>
    %rem3A_81 = vector.broadcast %jit3A_60 : i32 to vector<8x80xi32>
    %rem3A_82 = arith.remsi %iota3A_59, %rem3A_81 : vector<8x80xi32>
    %ne3A_83 = arith.constant 0 : i32
    %ne3A_84 = vector.broadcast %ne3A_83 : i32 to vector<8x80xi32>
    %ne3A_85 = arith.cmpi ne, %rem3A_82, %ne3A_84 : vector<8x80xi32>
    %and3A_86 = arith.andi %ne3A_80, %ne3A_85 : vector<8x80xi1>
    %sub3A_87 = arith.constant 1 : i32
    %sub3A_88 = vector.broadcast %sub3A_87 : i32 to vector<8x80xi32>
    %sub3A_89 = arith.subi %div3A_62, %sub3A_88 : vector<8x80xi32>
    %select_n3A_90 = arith.select %and3A_86, %sub3A_89, %div3A_62 : vector<8x80xi1>, vector<8x80xi32>
    %eq3A_91 = arith.cmpi eq, %select_n3A_90, %iota3A_58 : vector<8x80xi32>
    %jit3A_92 = arith.constant 1.000000e-01 : f32
    %jit3A_93 = arith.constant 0.000000e+00 : f32
    %broadcast_in_dim3A_94 = vector.broadcast %jit3A_92 : f32 to vector<8x80xf32>
    %broadcast_in_dim3A_95 = vector.broadcast %jit3A_93 : f32 to vector<8x80xf32>
    %select_n3A_96 = arith.select %eq3A_91, %broadcast_in_dim3A_94, %broadcast_in_dim3A_95 : vector<8x80xi1>, vector<8x80xf32>
    %broadcast_in_dim3A_97 = vector.shape_cast %select_n3A_96 : vector<8x80xf32> to vector<1x8x80xf32>
    %broadcast_in_dim3A_98 = vector.broadcast %broadcast_in_dim3A_97 : vector<1x8x80xf32> to vector<50x8x80xf32>
    %dot_general3A_99 = arith.constant dense<0.000000e+00> : vector<50x8x128xf32>
    %dot_general3A_100 = tpu.matmul %broadcast_in_dim3A_98, %reshape3A_57, %dot_general3A_99 {dimension_numbers = #tpu.dot_dimension_numbers<[2], [1], [1], [2], [0, 0, 0, 1, 1, 2], [0], [0]>, transpose_lhs_hint = false} : vector<50x8x80xf32>, vector<50x80x128xf32>, vector<50x8x128xf32> -> vector<50x8x128xf32>
    %reshape3A_101 = vector.shape_cast %dot_general3A_100 : vector<50x8x128xf32> to vector<400x128xf32>
    %dot_general3A_102 = arith.constant dense<0.000000e+00> : vector<400x128xf32>
    %dot_general3A_103 = tpu.matmul %get3A_1, %get3A_10, %dot_general3A_102 {dimension_numbers = #tpu.dot_dimension_numbers<[1], [0], [0], [1], [0, 0, 1, 1], [], []>, transpose_lhs_hint = false} : vector<400x128xf32>, vector<128x128xf32>, vector<400x128xf32> -> vector<400x128xf32>
    %dot_general3A_104 = arith.constant dense<0.000000e+00> : vector<400x128xf32>
    %dot_general3A_105 = tpu.matmul %reshape3A_56, %get3A_13, %dot_general3A_104 {dimension_numbers = #tpu.dot_dimension_numbers<[1], [0], [0], [1], [0, 0, 1, 1], [], []>, transpose_lhs_hint = false} : vector<400x128xf32>, vector<128x128xf32>, vector<400x128xf32> -> vector<400x128xf32>
    %add3A_106 = arith.addf %dot_general3A_103, %dot_general3A_105 : vector<400x128xf32>
    %add3A_107 = vector.broadcast %get3A_16 : vector<1x128xf32> to vector<400x128xf32>
    %add3A_108 = arith.addf %add3A_106, %add3A_107 : vector<400x128xf32>
    %max3A_109 = arith.constant 0.000000e+00 : f32
    %max3A_110 = vector.broadcast %max3A_109 : f32 to vector<400x128xf32>
    %max3A_111 = arith.maximumf %add3A_108, %max3A_110 : vector<400x128xf32>
    %get3A_112 = arith.constant 0 : index
    %get3A_113 = arith.constant 0 : index
    %get3A_114 = vector.load %arg7[%get3A_112, %get3A_113] : memref<128x40xf32, #tpu.memory_space<vmem>>, vector<128x40xf32>
    %dot_general3A_115 = arith.constant dense<0.000000e+00> : vector<400x40xf32>
    %dot_general3A_116 = tpu.matmul %max3A_111, %get3A_114, %dot_general3A_115 {dimension_numbers = #tpu.dot_dimension_numbers<[1], [0], [0], [1], [0, 0, 1, 1], [], []>, transpose_lhs_hint = false} : vector<400x128xf32>, vector<128x40xf32>, vector<400x40xf32> -> vector<400x40xf32>
    %get3A_117 = arith.constant 0 : index
    %get3A_118 = arith.constant 0 : index
    %get3A_119 = vector.load %arg8[%get3A_117, %get3A_118] : memref<128x40xf32, #tpu.memory_space<vmem>>, vector<128x40xf32>
    %dot_general3A_120 = arith.constant dense<0.000000e+00> : vector<400x40xf32>
    %dot_general3A_121 = tpu.matmul %reshape3A_101, %get3A_119, %dot_general3A_120 {dimension_numbers = #tpu.dot_dimension_numbers<[1], [0], [0], [1], [0, 0, 1, 1], [], []>, transpose_lhs_hint = false} : vector<400x128xf32>, vector<128x40xf32>, vector<400x40xf32> -> vector<400x40xf32>
    %add3A_122 = arith.addf %dot_general3A_116, %dot_general3A_121 : vector<400x40xf32>
    %get3A_123 = arith.constant 0 : index
    %get3A_124 = arith.constant 0 : index
    %get3A_125 = vector.load %arg9[%get3A_123, %get3A_124] : memref<1x40xf32, #tpu.memory_space<vmem>>, vector<1x40xf32>
    %add3A_126 = vector.broadcast %get3A_125 : vector<1x40xf32> to vector<400x40xf32>
    %add3A_127 = arith.addf %add3A_122, %add3A_126 : vector<400x40xf32>
    %reduce_max3A = arith.constant dense<0xFF800000> : vector<400xf32>
    %reduce_max3A_128 = vector.multi_reduction <maximumf>, %add3A_127, %reduce_max3A [1] : vector<400x40xf32> to vector<400xf32>
    %broadcast_in_dim3A_129 = vector.shape_cast %reduce_max3A_128 : vector<400xf32> to vector<400x1xf32>
    %sub3A_130 = vector.broadcast %broadcast_in_dim3A_129 : vector<400x1xf32> to vector<400x40xf32>
    %sub3A_131 = arith.subf %add3A_127, %sub3A_130 : vector<400x40xf32>
    %exp3A = math.exp %sub3A_131 : vector<400x40xf32>
    %reduce_sum3A = arith.constant dense<0.000000e+00> : vector<400xf32>
    %reduce_sum3A_132 = vector.multi_reduction <add>, %exp3A, %reduce_sum3A [1] : vector<400x40xf32> to vector<400xf32>
    %broadcast_in_dim3A_133 = vector.shape_cast %reduce_sum3A_132 : vector<400xf32> to vector<400x1xf32>
    %log3A = math.log %broadcast_in_dim3A_133 : vector<400x1xf32>
    %sub3A_134 = vector.broadcast %log3A : vector<400x1xf32> to vector<400x40xf32>
    %sub3A_135 = arith.subf %sub3A_131, %sub3A_134 : vector<400x40xf32>
    %swap3A = arith.constant 0 : index
    %swap3A_136 = arith.constant 0 : index
    %swap3A_137 = vector.load %arg10[%swap3A, %swap3A_136] : memref<400x40xf32, #tpu.memory_space<vmem>>, vector<400x40xf32>
    tpu.vector_store %arg10[%swap3A, %swap3A_136], %sub3A_135 {strides = array<i32>} : memref<400x40xf32, #tpu.memory_space<vmem>>, vector<400x40xf32>,
    return
  }
  func.func @transform_0(%arg0: i32) -> (i32, i32) {
    %c0_i32 = arith.constant 0 : i32
    %c0_i32_0 = arith.constant 0 : i32
    return %arg0, %c0_i32 : i32, i32
  }
  func.func @transform_1(%arg0: i32) -> (i32, i32) {
    %c0_i32 = arith.constant 0 : i32
    %c0_i32_0 = arith.constant 0 : i32
    return %arg0, %c0_i32 : i32, i32
  }
  func.func @transform_2(%arg0: i32) -> (i32, i32) {
    %c0_i32 = arith.constant 0 : i32
    %c0_i32_0 = arith.constant 0 : i32
    return %arg0, %c0_i32 : i32, i32
  }
  func.func @transform_3(%arg0: i32) -> (i32, i32) {
    %c0_i32 = arith.constant 0 : i32
    %c0_i32_0 = arith.constant 0 : i32
    %c0_i32_1 = arith.constant 0 : i32
    return %c0_i32, %c0_i32_0 : i32, i32
  }
  func.func @transform_4(%arg0: i32) -> (i32, i32) {
    %c0_i32 = arith.constant 0 : i32
    %c0_i32_0 = arith.constant 0 : i32
    %c0_i32_1 = arith.constant 0 : i32
    return %c0_i32, %c0_i32_0 : i32, i32
  }
  func.func @transform_5(%arg0: i32) -> (i32, i32) {
    %c0_i32 = arith.constant 0 : i32
    %c0_i32_0 = arith.constant 0 : i32
    %c0_i32_1 = arith.constant 0 : i32
    return %c0_i32, %c0_i32_0 : i32, i32
  }
  func.func @transform_6(%arg0: i32) -> (i32, i32) {
    %c0_i32 = arith.constant 0 : i32
    %c0_i32_0 = arith.constant 0 : i32
    %c0_i32_1 = arith.constant 0 : i32
    return %c0_i32, %c0_i32_0 : i32, i32
  }
  func.func @transform_7(%arg0: i32) -> (i32, i32) {
    %c0_i32 = arith.constant 0 : i32
    %c0_i32_0 = arith.constant 0 : i32
    %c0_i32_1 = arith.constant 0 : i32
    return %c0_i32, %c0_i32_0 : i32, i32
  }
  func.func @transform_8(%arg0: i32) -> (i32, i32) {
    %c0_i32 = arith.constant 0 : i32
    %c0_i32_0 = arith.constant 0 : i32
    %c0_i32_1 = arith.constant 0 : i32
    return %c0_i32, %c0_i32_0 : i32, i32
  }
  func.func @transform_9(%arg0: i32) -> (i32, i32) {
    %c0_i32 = arith.constant 0 : i32
    %c0_i32_0 = arith.constant 0 : i32
    return %arg0, %c0_i32 : i32, i32
  }
}

</mosaic_0001>

<sc_bundles>
// kernel: _run.5.cloned.1.call-start
scs
__scs_entry_jumppad:
0x0: {  	(pc) =	sbr.rel $0x88, $3  }
0x1: {  	(tag) =	ssettag $0x0;
	lr =	simm.s32 $0x1  }
0x2: {  	[smem:$0x3F97] =	sst lr;
	_ =	strace $0xD0000000  }
0x3: {  	_ = 	snop  }
0x4: {  	_ = 	snop  }
0x5: {  	_ = 	snop  }
0x6: {  	_ = 	snop  }
0x7: {  	_ = 	snop  }
__scs_overlays_trampoline_lowered:
0x8: {  	[smem:$0x3FA6] =	sst s0  }
0x9: {  	[smem:$0x3FA7] =	sst s1  }
0xa: {  	[smem:$0x3FA8] =	sst s2  }
0xb: {  	[smem:$0x3FA9] =	sst s3  }
0xc: {  	[smem:$0x3FAA] =	sst s4  }
0xd: {  	[smem:$0x3FAB] =	sst s5  }
0xe: {  	[smem:$0x3FAC] =	sst s6  }
0xf: {  	[smem:$0x3FAD] =	sst s7  }
0x10: {  	[smem:$0x3FAE] =	sst s8  }
0x11: {  	[smem:$0x3FAF] =	sst s9;
	s0 =	simm.s32 @!p0 $0x0  }
0x12: {  	s1 =	sld [smem:$0x3F95];
	s0 =	simm.s32 @p0 $0x1  }
0x13: {  	[smem:$0x3FB0] =	sst s0;
	s0 =	simm.s32 @!p1 $0x0  }
0x14: {  	s2 =	sld [smem:$0x3F94];
	s0 =	simm.s32 @p1 $0x1  }
0x15: {  	[smem:$0x3FB1] =	sst s0;
	s0 =	simm.s32 @!p2 $0x0  }
0x16: {  	s3 =	sld [smem:$0x3FDB];
	s0 =	simm.s32 @p2 $0x1  }
0x17: {  	s4 =	simm.s32 $0x1BF5;
	[smem:$0x3FB3] =	sst s0  }
0x18: {  	s0 =	sld [smem:$0x3F96];
	_ =	swait.ge [sflag:s4], $0x0  }
0x19: {  	s7 =	sld [smem:$0x3F97]  }
0x1a: {  	s8 =	sadd.s32 $0xFFFFE003, lr  }
0x1b: {  	s9 =	sadd.s32 $0xFFFFFEF7, lr;
	s5 =	simm.s32 $0xFFFFFFFF;
	p2 =	slt.u32 s8, $0xFFFFF086  }
0x1c: {  	p1 =	slt.u32 s9, $0xF7A;
	s5 =	simm.s32 @!p2 $0x0  }
0x1d: {  	s5 =	simm.s32 @p1 $0x1;
	p0 =	seq.s32 s7, s2  }
0x1e: {  	s7 =	smul.u32 @!p0 $0xF7A, s2;
	p2 =	seq.s32 @!p0 s5, $0x0  }
0x1f: {  	s9 =	smul.u32 $0xF7A, s1;
	s8 =	simm.s32 @!p0 $0x1BF5;
	p2 =	por !p2, p0  }
0x20: {  	[sflag:s8] =	ssyncset.s32 @!p0 $0xFFFFF086;
	s6 =	sadd.s32 @!p0 s3, s7;
	s7 =	simm.s32 @!p0 $0x108  }
0x21: {  	s3 =	sadd.s32 s3, s9;
	s6 =	sadd.s32 @!p0 $0x88, s6;
	s7 =	simm.s32 @p2 $0x1082  }
0x22: {  	[simem:s7], [sflag:s8] =	dma.local @!p0 [hbm:s6], $0xF7A  }
0x23: {  	s9 =	sor.u32 $0xD0000000, s2;
	s6 =	simm.s32 $0x108;
	_ =	swait.ge @!p0 [sflag:s8], $0x0  }
0x24: {  	s3 =	sadd.s32 $0x88, s3;
	s6 =	simm.s32 @!p1 $0x1082;
	[sflag:s4] =	ssyncset.s32 $0xFFFFF086  }
0x25: {  	[simem:s6], [sflag:s4] =	dma.local [hbm:s3], $0xF7A  }
0x26: {  	[smem:$0x3F97] =	sst s1;
	(tag) =	ssettag s2;
	_ =	strace s9  }
0x27: {  	s1 =	sld [smem:$0x3FA7]  }
0x28: {  	s2 =	sld [smem:$0x3FA8]  }
0x29: {  	s4 =	sld [smem:$0x3FAA]  }
0x2a: {  	p0 =	seq.s32 s5, $0x0;
	s5 =	sld [smem:$0x3FAB]  }
0x2b: {  	s6 =	sld [smem:$0x3FAC]  }
0x2c: {  	s7 =	sld [smem:$0x3FAD]  }
0x2d: {  	s3 =	simm.s32 $0x108;
	s8 =	sld [smem:$0x3FAE]  }
0x2e: {  	s3 =	simm.s32 @!p0 $0x1082;
	s9 =	sld [smem:$0x3FAF]  }
0x2f: {  	lr =	sadd.s32 s0, s3;
	s0 =	sld [smem:$0x3FA6]  }
0x30: {  	s3 =	sld [smem:$0x3FA9]  }
0x31: {  	[smem:$0x3FB2] =	sst s10  }
0x32: {  	s10 =	sld [smem:$0x3FB0];
	_ =	sdelay $0x3  }
0x33: {  	p0 =	seq.s32 s10, $0x1;
	s10 =	sld [smem:$0x3FB2];
	_ =	sdelay $0x3  }
0x34: {  	[smem:$0x3FB2] =	sst s10  }
0x35: {  	s10 =	sld [smem:$0x3FB1];
	_ =	sdelay $0x3  }
0x36: {  	p1 =	seq.s32 s10, $0x1;
	s10 =	sld [smem:$0x3FB2];
	_ =	sdelay $0x3  }
0x37: {  	[smem:$0x3FB2] =	sst s10  }
0x38: {  	s10 =	sld [smem:$0x3FB3]  }
0x39: {  	_ = 	snop;
	(pc) =	sbr.ind lr, $3  }
0x3a: {  	_ = 	snop  }
0x3b: {  	_ = 	snop  }
0x3c: {  	p2 =	seq.s32 s10, $0x1;
	s10 =	sld [smem:$0x3FB2]  }
0x3d: {  	_ =	shalt  }
0x3e: {  	_ =	shalt  }
0x3f: {  	_ =	shalt  }
0x40: {  	_ =	shalt  }
0x41: {  	_ =	shalt  }
0x42: {  	_ =	shalt  }
0x43: {  	_ =	shalt  }
0x44: {  	_ =	shalt  }
0x45: {  	_ =	shalt  }
0x46: {  	_ =	shalt  }
0x47: {  	_ =	shalt  }
0x48: {  	_ =	shalt  }
0x49: {  	_ =	shalt  }
0x4a: {  	_ =	shalt  }
0x4b: {  	_ =	shalt  }
0x4c: {  	_ =	shalt  }
0x4d: {  	_ =	shalt  }
0x4e: {  	_ =	shalt  }
0x4f: {  	_ =	shalt  }
0x50: {  	_ =	shalt  }
0x51: {  	_ =	shalt  }
0x52: {  	_ =	shalt  }
0x53: {  	_ =	shalt  }
0x54: {  	_ =	shalt  }
0x55: {  	_ =	shalt  }
0x56: {  	_ =	shalt  }
0x57: {  	_ =	shalt  }
0x58: {  	_ =	shalt  }
0x59: {  	_ =	shalt  }
0x5a: {  	_ =	shalt  }
0x5b: {  	_ =	shalt  }
0x5c: {  	_ =	shalt  }
0x5d: {  	_ =	shalt  }
0x5e: {  	_ =	shalt  }
0x5f: {  	_ =	shalt  }
0x60: {  	_ =	shalt  }
0x61: {  	_ =	shalt  }
0x62: {  	_ =	shalt  }
0x63: {  	_ =	shalt  }
0x64: {  	_ =	shalt  }
0x65: {  	_ =	shalt  }
0x66: {  	_ =	shalt  }
0x67: {  	_ =	shalt  }
0x68: {  	_ =	shalt  }
0x69: {  	_ =	shalt  }
0x6a: {  	_ =	shalt  }
0x6b: {  	_ =	shalt  }
0x6c: {  	_ =	shalt  }
0x6d: {  	_ =	shalt  }
0x6e: {  	_ =	shalt  }
0x6f: {  	_ =	shalt  }
0x70: {  	_ =	shalt  }
0x71: {  	_ =	shalt  }
0x72: {  	_ =	shalt  }
0x73: {  	_ =	shalt  }
0x74: {  	_ =	shalt  }
0x75: {  	_ =	shalt  }
0x76: {  	_ =	shalt  }
0x77: {  	_ =	shalt  }
0x78: {  	_ =	shalt  }
0x79: {  	_ =	shalt  }
0x7a: {  	_ =	shalt  }
0x7b: {  	_ =	shalt  }
0x7c: {  	_ =	shalt  }
0x7d: {  	_ =	shalt  }
0x7e: {  	_ =	shalt  }
0x7f: {  	_ =	shalt  }
0x80: {  	_ =	shalt  }
0x81: {  	_ =	shalt  }
0x82: {  	_ =	shalt  }
0x83: {  	_ =	shalt  }
0x84: {  	_ =	shalt  }
0x85: {  	_ =	shalt  }
0x86: {  	_ =	shalt  }
0x87: {  	_ =	shalt  }
.Lfunc_end0:
.L_simem_size_0:
called_computation_lowered:
.L_overlay_start_0:
0x88: {  	s2 =	sld [smem:$0x3FD9]  }
0x89: {  	s3 =	sld [smem:$0x3FFE];
	_ =	sdelay $0x1  }
0x8a: {  	s1 =	srdreg.scid  }
0x8b: {  	s0 =	sand.u32 $0x1, s1  }
0x8c: {  	s17 =	sshll.u32 s0, $0xA;
	s2 =	sadd.s32 s3, s2  }
0x8d: {  	s2 =	sadd.s32 s2, s17  }
0x8e: {  	[smem:$0x3FBE] =	sst s2  }
0x8f: {  	_ = 	snop  }
0x90: {  	s2 =	sld [smem:$0x3FC6];
	(tm) =	ssettm $0x1  }
0x91: {  	s18 =	sld [smem:$0x3FFB];
	_ =	sdelay $0x3  }
0x92: {  	_ =	strace s18  }
0x93: {  	s3 =	sld [smem:$0x3FFC];
	_ =	sdelay $0x3  }
0x94: {  	_ =	strace s3  }
0x95: {  	s3 =	sld [smem:$0x3FFD];
	_ =	sdelay $0x3  }
0x96: {  	_ =	strace s3  }
0x97: {  	_ =	strace $0x8FFFFFFF  }
0x98: {  	s19 =	sld [smem:$0x3FDB];
	_ =	sdelay $0x1  }
0x99: {  	s4 =	simm.s32 $_scs_section_size  }
0x9a: {  	s5 =	simm.s32 $_size__tile_overlayer_lowered;
	s6 =	simm.s32 $_tile_overlayer_lowered  }
0x9b: {  	s22 =	simm.s32 $0x1BFF;
	s21 =	sshll.u32 s6, $0x1;
	s3 =	sadd.s32 s4, s19  }
0x9c: {  	s7 =	simm.s32 $0x0;
	s20 =	sshll.u32 s5, $0x1;
	s5 =	sadd.s32 s21, s3  }
0x9d: {  	[timem:s7], [sflag:s22] =	dma.local [hbm:s5], s20  }
0x9e: {  	_ =	swait.ge [sflag:s22], s20  }
0x9f: {  	s4 =	ssub.s32 $0x0, s20;
	[sflag:s22] =	ssyncset.done $0x0  }
0xa0: {  	[sflag:s22] =	ssyncadd.s32 s4;
	_ =	sdelay $0x1  }
0xa1: {  	s23 =	simm.s32 $0x1B8B  }
0xa2: {  	_ =	swait.ge [sflag:s23], $0x1  }
0xa3: {  	[sflag:s23] =	ssyncset.done $0x0  }
0xa4: {  	s25 =	simm.s32 $0x1B8E;
	s24 =	sld [smem:$0x3FFE];
	[sflag:s23] =	ssyncadd.s32 $0xFFFFFFFF  }
0xa5: {  	s26 =	simm.s32 $execute0_lowered;
	[smem:$0x3FD2] =	sst s25  }
0xa6: {  	s5 =	sshll.u32 s26, $0x1;
	_ =	strace $0x80000046;
	[dreg:$0x1] =	wrdreg $0xFFFFFFFF  }
0xa7: {  	s28 =	simm.s32 $_size_execute0_lowered;
	s3 =	sadd.s32 s3, s5;
	[dreg:$0x0] =	wrdreg $0x0  }
0xa8: {  	s5 =	sshll.u32 s28, $0x1;
	[dreg:$0x2] =	wrdreg s3  }
0xa9: {  	[dreg:$0x3] =	wrdreg s5  }
0xaa: {  	[dreg:$0x4] =	wrdreg $0xC0  }
0xab: {  	_ =	task [dreg:s7], $0x5FFFF  }
0xac: {  	[dreg:$0x1] =	wrdreg $0xFFFFFFFF  }
0xad: {  	[dreg:$0x0] =	wrdreg $0x60  }
0xae: {  	[dreg:$0x2] =	wrdreg s2  }
0xaf: {  	[dreg:$0x3] =	wrdreg s24  }
0xb0: {  	[dreg:$0x4] =	wrdreg $0x9  }
0xb1: {  	_ =	task.clear_ibuf [dreg:s7], $0x5FFFF;
	_ =	strace $0x90000046  }
0xb2: {  	s29 =	simm.s32 $0x9;
	_ =	strace $0x80000048  }
0xb3: {  	_ =	swait.ge [sflag:s29], $0x1  }
0xb4: {  	[sflag:s29] =	ssyncadd.s32 $0xFFFFFFFF  }
0xb5: {  	_ =	strace $0x90000048  }
0xb6: {  	_ =	sfence  }
0xb7: {  	s30 =	sld [smem:$0x0];
	_ =	sdelay $0x2  }
0xb8: {  	s31 =	sshll.u32 s1, $0xD;
	s1 =	sshrl.u32 s1, $0x2  }
0xb9: {  	s3 =	sand.u32 $0x4000, s31;
	s1 =	sadd.s32 s1, s30  }
0xba: {  	s0 =	sor.u32 s3, s0;
	s1 =	sshll.u32 s1, $0x11  }
0xbb: {  	s0 =	sor.u32 s1, s0  }
0xbc: {  	s0 =	sadd.s32 $0x8F2B, s0  }
0xbd: {  	[sflag:s0] =	ssyncadd.remote.s32 $0x1  }
0xbe: {  	_ =	sfence.sel $0xFFFF  }
0xbf: {  	[dreg:$0x0] =	wrdreg $0xFFFFFFFF;
	(pc) =	sbr.abs _section_cstart, $3  }
0xc0: {  	[dreg:$0x1] =	wrdreg $0xFFFFFFFF  }
0xc1: {  	_ =	task.clear_ibuf [dreg:s7], $0x2FFFF;
	_ =	strace $0x9FFFFFFF  }
0xc2: {  	(tm) =	ssettm $0x7FFFFFFF  }
0xc3: {  	_ =	shalt  }
tec
execute0_lowered:
.L_overlay_start_1:
0x0: {  	(tag) =	ssettag $0x1  }
0x1: {  	s2 =	rddreg [dreg:$0x0];
	s1 =	srdreg.scid  }
0x2: {  	s0 =	stileid.u32;
	s5 =	rddreg [dreg:$0x1];
	s3 =	simm.s32 $0x0  }
0x3: {  	s10 =	simm.s32 $0x1;
	s11 =	simm.s32 $0x2;
	s12 =	simm.s32 $0x4  }
0x4: {  	s13 =	simm.s32 $0x3;
	s4 =	sand.u32 $0x1, s1;
	s6 =	sshll.u32 s0, $0x1  }
0x5: {  	s14 =	simm.s32 $0x0;
	s1 =	rddreg [dreg:$0x2];
	s6 =	sor.u32 s4, s6  }
0x6: {  	[smem:$0x7FF] =	sst s3;
	s7 =	ssub.s32 $0x2, s4;
	s4 =	smul.u32 $0x27100, s6  }
0x7: {  	s5 =	sadd.s32 $0x1400, s5;
	_ =	strace $0x80000047;
	s8 =	sshrl.u32 s7, $0x1  }
0x8: {  	s6 =	smul.u32 $0x7D00, s6;
	s9 =	ssub.s32 s7, s8;
	s31 =	sshrl.u32 s4, $0x3  }
0x9: {  	s8 =	sadd.s32 $0x7D00, s4;
	s9 =	smax.u32 s9, $0x1;
	s7 =	sadd.s32 s2, s31  }
.LBB2_1:
0xa: {  	s15 =	sadd.s32 $0x0, s7;
	s16 =	simm.s32 $0x10;
	s17 =	simm.s32 $0x0  }
0xb: {  	[tilespmem:s3], [sflag:$0x1] =	stream.linear.gather [hbm4b:s15+s3], $0x80, $0x38;
	[tilespmem:$0x9600] =	vst v63  }
.LBB2_2:
0xc: {  	p0 =	seq.s32 s16, $0x7C0  }
.Ltmp0:
0xd: {  	_ = 	snop;
	(pc) =	sbr.rel @!p0 .LBB2_2-.Ltmp0, $4  }
0xe: {  	_ = 	snop  }
0xf: {  	s18 =	sadd.s32 s16, s7;
	s17 =	sadd.s32 $0x100, s17  }
0x10: {  	s15 =	simm.s32 $0x0;
	s16 =	sadd.s32 $0x10, s16  }
0x11: {  	[tilespmem:s17], [sflag:$0x1] =	stream.linear.gather [hbm4b:s18+s15], $0x80, $0x38;
	[tilespmem:$0x9600] =	vst v63  }
.LBB2_4:
0x12: {  	s16 =	sshllo.u32 s15, $0x1  }
0x13: {  	s17 =	smul.u32 $0x3E80, s16;
	_ =	sdelay $0x1  }
0x14: {  	s17 =	sadd.s32 s4, s17  }
0x15: {  	s17 =	sshrl.u32 s17, $0x3  }
0x16: {  	s18 =	simm.s32 $0x80;
	s17 =	sadd.s32 s2, s17  }
0x17: {  	s19 =	simm.s32 $0x10;
	s20 =	simm.s32 $0x180;
	s21 =	sadd.s32 $0x0, s17  }
.LBB2_5:
0x18: {  	[tilespmem:s18], [sflag:$0x2] =	stream.linear.gather [hbm4b:s21+s3], $0x80, $0x38;
	[tilespmem:$0x9600] =	vst v63  }
0x19: {  	s21 =	smov.u32 s19;
	s18 =	smov.u32 s20;
	p0 =	sne.s32 s19, $0x7C0  }
.Ltmp1:
0x1a: {  	s19 =	sadd.s32 $0x10, s19;
	(pc) =	sbr.rel @p0 .LBB2_5-.Ltmp1, $2  }
0x1b: {  	_ =	sdelay $0x2  }
0x1c: {  	s20 =	sadd.s32 $0x100, s20;
	s21 =	sadd.s32 s21, s17  }
0x1d: {  	[tilespmem:s18], [sflag:$0x2] =	stream.linear.gather [hbm4b:s21+s3], $0x80, $0x38;
	[tilespmem:$0x9600] =	vst v63  }
0x1e: {  	_ =	swait.ge [sflag:s10], $0x3E80  }
0x1f: {  	p0 =	seq.s32 s15, $0x0;
	[sflag:s10] =	ssyncset.done $0x0  }
0x20: {  	s17 =	simm.s32 @!p0 $0x3;
	[sflag:s10] =	ssyncadd.s32 $0xFFFFC180  }
0x21: {  	_ =	swait.ge @!p0 [sflag:s17], $0xC80  }
0x22: {  	[sflag:s17] =	ssyncset.done @!p0 $0x0  }
0x23: {  	[sflag:s17] =	ssyncadd.s32 @!p0 $0xFFFFF380;
	s17 =	simm.s32 $0x240  }
0x24: {  	v0 =	vld [tilespmem:s17+$0xFFFFFEC0]  }
0x25: {  	v1 =	vld [tilespmem:s17+$0xFFFFFDC0];
	_ =	sdelay $0x1  }
0x26: {  	v2 =	vld [tilespmem:s17+$0xFFFFFFC0];
	_ =	sdelay $0x1  }
0x27: {  	v3 =	vld [tilespmem:s17+$0xC0]  }
0x28: {  	v0 =	vadd.f32 v0, v1  }
0x29: {  	v1 =	vld [tilespmem:s17+$0x1C0]  }
0x2a: {  	v0 =	vadd.f32 v2, v0;
	_ =	sdelay $0x1  }
0x2b: {  	v0 =	vadd.f32 v3, v0;
	_ =	sdelay $0x1  }
0x2c: {  	v0 =	vadd.f32 v1, v0;
	_ =	sdelay $0x1  }
0x2d: {  	v0 =	vmul.f32 $2.000000030e-01, v0  }
0x2e: {  	s18 =	simm.s32 $0x0  }
0x2f: {  	[tilespmem:s18+$0x7D00] =	vst v0  }
0x30: {  	v0 =	vld [tilespmem:s17+$0xFFFFFDD0]  }
0x31: {  	v1 =	vld [tilespmem:s17+$0xFFFFFED0];
	_ =	sdelay $0x1  }
0x32: {  	v2 =	vld [tilespmem:s17+$0xFFFFFFD0];
	_ =	sdelay $0x1  }
0x33: {  	v3 =	vld [tilespmem:s17+$0xD0]  }
0x34: {  	v0 =	vadd.f32 v1, v0  }
0x35: {  	v1 =	vld [tilespmem:s17+$0x1D0]  }
0x36: {  	v0 =	vadd.f32 v2, v0;
	_ =	sdelay $0x1  }
0x37: {  	v0 =	vadd.f32 v3, v0;
	_ =	sdelay $0x1  }
0x38: {  	v0 =	vadd.f32 v1, v0;
	_ =	sdelay $0x1  }
0x39: {  	v0 =	vmul.f32 $2.000000030e-01, v0;
	_ =	sdelay $0x1  }
0x3a: {  	[tilespmem:s18+$0x7D10] =	vst v0  }
0x3b: {  	v0 =	vld [tilespmem:s17+$0xFFFFFDE0]  }
0x3c: {  	v1 =	vld [tilespmem:s17+$0xFFFFFEE0];
	_ =	sdelay $0x1  }
0x3d: {  	v2 =	vld [tilespmem:s17+$0xFFFFFFE0];
	_ =	sdelay $0x1  }
0x3e: {  	v3 =	vld [tilespmem:s17+$0xE0]  }
0x3f: {  	v0 =	vadd.f32 v1, v0  }
0x40: {  	v1 =	vld [tilespmem:s17+$0x1E0]  }
0x41: {  	v0 =	vadd.f32 v2, v0;
	_ =	sdelay $0x1  }
0x42: {  	v0 =	vadd.f32 v3, v0;
	_ =	sdelay $0x1  }
0x43: {  	v0 =	vadd.f32 v1, v0;
	_ =	sdelay $0x1  }
0x44: {  	v0 =	vmul.f32 $2.000000030e-01, v0;
	_ =	sdelay $0x1  }
0x45: {  	[tilespmem:s18+$0x7D20] =	vst v0  }
0x46: {  	v0 =	vld [tilespmem:s17+$0xFFFFFDF0]  }
0x47: {  	v1 =	vld [tilespmem:s17+$0xFFFFFEF0];
	_ =	sdelay $0x1  }
0x48: {  	v2 =	vld [tilespmem:s17+$0xFFFFFFF0];
	_ =	sdelay $0x1  }
0x49: {  	v3 =	vld [tilespmem:s17+$0xF0]  }
0x4a: {  	v0 =	vadd.f32 v1, v0  }
0x4b: {  	v1 =	vld [tilespmem:s17+$0x1F0]  }
0x4c: {  	v0 =	vadd.f32 v2, v0;
	_ =	sdelay $0x1  }
0x4d: {  	v0 =	vadd.f32 v3, v0;
	_ =	sdelay $0x1  }
0x4e: {  	v0 =	vadd.f32 v1, v0;
	_ =	sdelay $0x1  }
0x4f: {  	v0 =	vmul.f32 $2.000000030e-01, v0;
	_ =	sdelay $0x1  }
0x50: {  	[tilespmem:s18+$0x7D30] =	vst v0  }
0x51: {  	v0 =	vld [tilespmem:s17+$0xFFFFFE00]  }
0x52: {  	v1 =	vld [tilespmem:s17+$0xFFFFFF00];
	_ =	sdelay $0x1  }
0x53: {  	v2 =	vld [tilespmem:s17+$0x0];
	_ =	sdelay $0x1  }
0x54: {  	v3 =	vld [tilespmem:s17+$0x100]  }
0x55: {  	v0 =	vadd.f32 v1, v0  }
0x56: {  	v1 =	vld [tilespmem:s17+$0x200]  }
0x57: {  	v0 =	vadd.f32 v2, v0;
	_ =	sdelay $0x1  }
0x58: {  	v0 =	vadd.f32 v3, v0;
	_ =	sdelay $0x1  }
0x59: {  	v0 =	vadd.f32 v1, v0;
	_ =	sdelay $0x1  }
0x5a: {  	v0 =	vmul.f32 $2.000000030e-01, v0;
	_ =	sdelay $0x1  }
0x5b: {  	[tilespmem:s18+$0x7D40] =	vst v0  }
0x5c: {  	v0 =	vld [tilespmem:s17+$0xFFFFFE10]  }
0x5d: {  	v1 =	vld [tilespmem:s17+$0xFFFFFF10];
	_ =	sdelay $0x1  }
0x5e: {  	v2 =	vld [tilespmem:s17+$0x10];
	_ =	sdelay $0x1  }
0x5f: {  	v3 =	vld [tilespmem:s17+$0x110]  }
0x60: {  	v0 =	vadd.f32 v1, v0  }
0x61: {  	v1 =	vld [tilespmem:s17+$0x210]  }
0x62: {  	v0 =	vadd.f32 v2, v0;
	_ =	sdelay $0x1  }
0x63: {  	v0 =	vadd.f32 v3, v0;
	_ =	sdelay $0x1  }
0x64: {  	v0 =	vadd.f32 v1, v0;
	_ =	sdelay $0x1  }
0x65: {  	v0 =	vmul.f32 $2.000000030e-01, v0;
	_ =	sdelay $0x1  }
0x66: {  	[tilespmem:s18+$0x7D50] =	vst v0  }
0x67: {  	v0 =	vld [tilespmem:s17+$0xFFFFFE20]  }
0x68: {  	v1 =	vld [tilespmem:s17+$0xFFFFFF20];
	_ =	sdelay $0x1  }
0x69: {  	v2 =	vld [tilespmem:s17+$0x20];
	_ =	sdelay $0x1  }
0x6a: {  	v3 =	vld [tilespmem:s17+$0x120]  }
0x6b: {  	v0 =	vadd.f32 v1, v0  }
0x6c: {  	v1 =	vld [tilespmem:s17+$0x220]  }
0x6d: {  	v0 =	vadd.f32 v2, v0;
	_ =	sdelay $0x1  }
0x6e: {  	v0 =	vadd.f32 v3, v0;
	_ =	sdelay $0x1  }
0x6f: {  	v0 =	vadd.f32 v1, v0;
	_ =	sdelay $0x1  }
0x70: {  	v0 =	vmul.f32 $2.000000030e-01, v0;
	_ =	sdelay $0x1  }
0x71: {  	[tilespmem:s18+$0x7D60] =	vst v0  }
0x72: {  	v3 =	vld [tilespmem:s17+$0xFFFFFE30]  }
0x73: {  	v4 =	vld [tilespmem:s17+$0xFFFFFF30];
	_ =	sdelay $0x1  }
0x74: {  	v2 =	vld [tilespmem:s17+$0x30];
	_ =	sdelay $0x1  }
0x75: {  	v1 =	vld [tilespmem:s17+$0x130]  }
0x76: {  	s19 =	simm.s32 $0x400;
	v0 =	vld [tilespmem:s17+$0x230];
	v3 =	vadd.f32 v4, v3  }
.LBB2_7:
0x77: {  	p1 =	sne.s32 s19, $0x6000  }
0x78: {  	s17 =	sadd.s32 $0x500, s17;
	s20 =	smov.u32 s19;
	s19 =	sadd.s32 $0x400, s19;
	v2 =	vadd.f32 v2, v3  }
0x79: {  	_ = 	snop  }
0x7a: {  	v1 =	vadd.f32 v1, v2;
	_ =	sdelay $0x1  }
0x7b: {  	v0 =	vadd.f32 v0, v1;
	_ =	sdelay $0x1  }
0x7c: {  	v0 =	vmul.f32 $2.000000030e-01, v0;
	_ =	sdelay $0x1  }
0x7d: {  	[tilespmem:s18+$0x7D70] =	vst v0  }
0x7e: {  	v0 =	vld [tilespmem:s17+$0xFFFFFEC0]  }
0x7f: {  	v1 =	vld [tilespmem:s17+$0xFFFFFDC0]  }
0x80: {  	v2 =	vld [tilespmem:s17+$0xFFFFFFC0];
	_ =	sdelay $0x2  }
0x81: {  	v3 =	vld [tilespmem:s17+$0xC0]  }
0x82: {  	v0 =	vadd.f32 v0, v1  }
0x83: {  	v1 =	vld [tilespmem:s17+$0x1C0]  }
0x84: {  	v0 =	vadd.f32 v2, v0;
	_ =	sdelay $0x1  }
0x85: {  	v0 =	vadd.f32 v3, v0;
	_ =	sdelay $0x1  }
0x86: {  	v0 =	vadd.f32 v1, v0;
	_ =	sdelay $0x1  }
0x87: {  	v0 =	vmul.f32 $2.000000030e-01, v0  }
0x88: {  	s18 =	sshra.s32 s20, $0x2  }
0x89: {  	[tilespmem:s18+$0x7D00] =	vst v0  }
0x8a: {  	v0 =	vld [tilespmem:s17+$0xFFFFFDD0]  }
0x8b: {  	v1 =	vld [tilespmem:s17+$0xFFFFFED0];
	_ =	sdelay $0x1  }
0x8c: {  	v2 =	vld [tilespmem:s17+$0xFFFFFFD0];
	_ =	sdelay $0x1  }
0x8d: {  	v3 =	vld [tilespmem:s17+$0xD0]  }
0x8e: {  	v0 =	vadd.f32 v1, v0  }
0x8f: {  	v1 =	vld [tilespmem:s17+$0x1D0]  }
0x90: {  	v0 =	vadd.f32 v2, v0;
	_ =	sdelay $0x1  }
0x91: {  	v0 =	vadd.f32 v3, v0;
	_ =	sdelay $0x1  }
0x92: {  	v0 =	vadd.f32 v1, v0;
	_ =	sdelay $0x1  }
0x93: {  	v0 =	vmul.f32 $2.000000030e-01, v0;
	_ =	sdelay $0x1  }
0x94: {  	[tilespmem:s18+$0x7D10] =	vst v0  }
0x95: {  	v0 =	vld [tilespmem:s17+$0xFFFFFDE0]  }
0x96: {  	v1 =	vld [tilespmem:s17+$0xFFFFFEE0];
	_ =	sdelay $0x1  }
0x97: {  	v2 =	vld [tilespmem:s17+$0xFFFFFFE0];
	_ =	sdelay $0x1  }
0x98: {  	v3 =	vld [tilespmem:s17+$0xE0]  }
0x99: {  	v0 =	vadd.f32 v1, v0  }
0x9a: {  	v1 =	vld [tilespmem:s17+$0x1E0]  }
0x9b: {  	v0 =	vadd.f32 v2, v0;
	_ =	sdelay $0x1  }
0x9c: {  	v0 =	vadd.f32 v3, v0;
	_ =	sdelay $0x1  }
0x9d: {  	v0 =	vadd.f32 v1, v0;
	_ =	sdelay $0x1  }
0x9e: {  	v0 =	vmul.f32 $2.000000030e-01, v0;
	_ =	sdelay $0x1  }
0x9f: {  	[tilespmem:s18+$0x7D20] =	vst v0  }
0xa0: {  	v0 =	vld [tilespmem:s17+$0xFFFFFDF0]  }
0xa1: {  	v1 =	vld [tilespmem:s17+$0xFFFFFEF0]  }
0xa2: {  	v2 =	vld [tilespmem:s17+$0xFFFFFFF0];
	_ =	sdelay $0x2  }
0xa3: {  	v3 =	vld [tilespmem:s17+$0xF0]  }
0xa4: {  	v0 =	vadd.f32 v1, v0  }
0xa5: {  	v1 =	vld [tilespmem:s17+$0x1F0]  }
0xa6: {  	v0 =	vadd.f32 v2, v0;
	_ =	sdelay $0x1  }
0xa7: {  	v0 =	vadd.f32 v3, v0;
	_ =	sdelay $0x1  }
0xa8: {  	v0 =	vadd.f32 v1, v0;
	_ =	sdelay $0x1  }
0xa9: {  	v0 =	vmul.f32 $2.000000030e-01, v0;
	_ =	sdelay $0x1  }
0xaa: {  	[tilespmem:s18+$0x7D30] =	vst v0  }
0xab: {  	v0 =	vld [tilespmem:s17+$0xFFFFFE00]  }
0xac: {  	v1 =	vld [tilespmem:s17+$0xFFFFFF00]  }
0xad: {  	v2 =	vld [tilespmem:s17+$0x0];
	_ =	sdelay $0x2  }
0xae: {  	v3 =	vld [tilespmem:s17+$0x100]  }
0xaf: {  	v0 =	vadd.f32 v1, v0  }
0xb0: {  	v1 =	vld [tilespmem:s17+$0x200]  }
0xb1: {  	v0 =	vadd.f32 v2, v0;
	_ =	sdelay $0x1  }
0xb2: {  	v0 =	vadd.f32 v3, v0;
	_ =	sdelay $0x1  }
0xb3: {  	v0 =	vadd.f32 v1, v0;
	_ =	sdelay $0x1  }
0xb4: {  	v0 =	vmul.f32 $2.000000030e-01, v0;
	_ =	sdelay $0x1  }
0xb5: {  	[tilespmem:s18+$0x7D40] =	vst v0  }
0xb6: {  	v0 =	vld [tilespmem:s17+$0xFFFFFE10]  }
0xb7: {  	v1 =	vld [tilespmem:s17+$0xFFFFFF10]  }
0xb8: {  	v2 =	vld [tilespmem:s17+$0x10]  }
0xb9: {  	v3 =	vld [tilespmem:s17+$0x110]  }
0xba: {  	v4 =	vld [tilespmem:s17+$0x210];
	_ =	sdelay $0x1  }
0xbb: {  	v0 =	vadd.f32 v1, v0;
	_ =	sdelay $0x1  }
0xbc: {  	v0 =	vadd.f32 v2, v0;
	_ =	sdelay $0x1  }
0xbd: {  	v0 =	vadd.f32 v3, v0;
	_ =	sdelay $0x1  }
0xbe: {  	v0 =	vadd.f32 v4, v0;
	_ =	sdelay $0x1  }
0xbf: {  	v0 =	vmul.f32 $2.000000030e-01, v0;
	_ =	sdelay $0x1  }
0xc0: {  	[tilespmem:s18+$0x7D50] =	vst v0  }
0xc1: {  	v0 =	vld [tilespmem:s17+$0xFFFFFE20]  }
0xc2: {  	v1 =	vld [tilespmem:s17+$0xFFFFFF20]  }
0xc3: {  	v2 =	vld [tilespmem:s17+$0x20]  }
0xc4: {  	v3 =	vld [tilespmem:s17+$0x120]  }
0xc5: {  	v4 =	vld [tilespmem:s17+$0x220];
	_ =	sdelay $0x1  }
0xc6: {  	v0 =	vadd.f32 v1, v0;
	_ =	sdelay $0x1  }
0xc7: {  	v0 =	vadd.f32 v2, v0;
	_ =	sdelay $0x1  }
0xc8: {  	v0 =	vadd.f32 v3, v0;
	_ =	sdelay $0x1  }
0xc9: {  	v0 =	vadd.f32 v4, v0;
	_ =	sdelay $0x1  }
0xca: {  	v0 =	vmul.f32 $2.000000030e-01, v0;
	_ =	sdelay $0x1  }
0xcb: {  	[tilespmem:s18+$0x7D60] =	vst v0  }
0xcc: {  	v3 =	vld [tilespmem:s17+$0xFFFFFE30]  }
0xcd: {  	v4 =	vld [tilespmem:s17+$0xFFFFFF30]  }
.Ltmp2:
0xce: {  	v2 =	vld [tilespmem:s17+$0x30];
	(pc) =	sbr.rel @p1 .LBB2_7-.Ltmp2, $3  }
0xcf: {  	v1 =	vld [tilespmem:s17+$0x130]  }
0xd0: {  	v0 =	vld [tilespmem:s17+$0x230];
	_ =	sdelay $0x1  }
0xd1: {  	v3 =	vadd.f32 v4, v3  }
0xd2: {  	_ = 	snop  }
0xd3: {  	v2 =	vadd.f32 v2, v3;
	_ =	sdelay $0x1  }
0xd4: {  	v1 =	vadd.f32 v1, v2  }
0xd5: {  	s17 =	smul.u32 $0x1900, s15  }
0xd6: {  	v0 =	vadd.f32 v0, v1  }
0xd7: {  	s17 =	sadd.s32 s6, s17  }
0xd8: {  	s17 =	sshrl.u32 s17, $0x3;
	v0 =	vmul.f32 $2.000000030e-01, v0  }
0xd9: {  	s19 =	simm.s32 $0x7D00;
	s17 =	sadd.s32 s5, s17  }
0xda: {  	s20 =	simm.s32 $0x7E00;
	s21 =	sadd.s32 $0x0, s17;
	[tilespmem:s18+$0x7D70] =	vst v0;
	s18 =	simm.s32 $0x10  }
.LBB2_9:
0xdb: {  	[hbm4b:s21+s3] =	stream.linear.scatter [tilespmem:s19], [sflag:$0x3], $0x80, $0x38;
	[tilespmem:$0x9600] =	vst v63  }
0xdc: {  	s21 =	smov.u32 s18;
	s19 =	smov.u32 s20;
	p1 =	sne.s32 s18, $0x180  }
.Ltmp3:
0xdd: {  	s18 =	sadd.s32 $0x10, s18;
	(pc) =	sbr.rel @p1 .LBB2_9-.Ltmp3, $2  }
0xde: {  	_ =	sdelay $0x2  }
0xdf: {  	s20 =	sadd.s32 $0x100, s20;
	s21 =	sadd.s32 s21, s17  }
0xe0: {  	p1 =	sne.s32 s15, $0x4  }
.Ltmp4:
0xe1: {  	_ = 	snop;
	(pc) =	sbr.rel @p1 .LBB2_12-.Ltmp4, $2  }
0xe2: {  	_ =	sdelay $0x2  }
0xe3: {  	[hbm4b:s21+s3] =	stream.linear.scatter [tilespmem:s19], [sflag:$0x3], $0x80, $0x38;
	[tilespmem:$0x9600] =	vst v63  }
.Ltmp5:
0xe4: {  	(pc) =	sbr.rel .LBB2_15-.Ltmp5, $4  }
0xe5: {  	_ = 	snop  }
0xe6: {  	_ =	swait.ge [sflag:s11], $0x3E80  }
0xe7: {  	[sflag:s11] =	ssyncset.done $0x0  }
0xe8: {  	[sflag:s11] =	ssyncadd.s32 $0xFFFFC180  }
.LBB2_12:
0xe9: {  	s17 =	smul.u32 $0x7D00, s15;
	_ =	sdelay $0x1  }
0xea: {  	s17 =	sadd.s32 s17, s8  }
0xeb: {  	s17 =	sshrl.u32 s17, $0x3  }
0xec: {  	s18 =	simm.s32 $0x0;
	s17 =	sadd.s32 s2, s17  }
0xed: {  	s19 =	simm.s32 $0x10;
	s20 =	simm.s32 $0x100;
	s21 =	sadd.s32 $0x0, s17  }
.LBB2_13:
0xee: {  	[tilespmem:s18], [sflag:$0x1] =	stream.linear.gather [hbm4b:s21+s3], $0x80, $0x38;
	[tilespmem:$0x9600] =	vst v63  }
0xef: {  	s21 =	smov.u32 s19;
	s18 =	smov.u32 s20;
	p1 =	sne.s32 s19, $0x7C0  }
.Ltmp6:
0xf0: {  	s19 =	sadd.s32 $0x10, s19;
	(pc) =	sbr.rel @p1 .LBB2_13-.Ltmp6, $2  }
0xf1: {  	_ =	sdelay $0x2  }
0xf2: {  	s20 =	sadd.s32 $0x100, s20;
	s21 =	sadd.s32 s21, s17  }
.Ltmp7:
0xf3: {  	(pc) =	sbr.rel @p0 .LBB2_16-.Ltmp7, $4  }
0xf4: {  	[tilespmem:s18], [sflag:$0x1] =	stream.linear.gather [hbm4b:s21+s3], $0x80, $0x38;
	[tilespmem:$0x9600] =	vst v63  }
0xf5: {  	_ =	swait.ge [sflag:s11], $0x3E80  }
0xf6: {  	[sflag:s11] =	ssyncset.done $0x0  }
0xf7: {  	[sflag:s11] =	ssyncadd.s32 $0xFFFFC180  }
.LBB2_15:
0xf8: {  	_ =	swait.ge [sflag:s12], $0xC80  }
0xf9: {  	[sflag:s12] =	ssyncset.done $0x0  }
0xfa: {  	[sflag:s12] =	ssyncadd.s32 $0xFFFFF380  }
.LBB2_16:
0xfb: {  	s17 =	simm.s32 $0x280  }
0xfc: {  	v0 =	vld [tilespmem:s17+$0xFFFFFF00]  }
0xfd: {  	v1 =	vld [tilespmem:s17+$0xFFFFFE00];
	_ =	sdelay $0x1  }
0xfe: {  	v2 =	vld [tilespmem:s17+$0x0];
	_ =	sdelay $0x1  }
0xff: {  	v3 =	vld [tilespmem:s17+$0x100]  }
0x100: {  	v0 =	vadd.f32 v0, v1  }
0x101: {  	v1 =	vld [tilespmem:s17+$0x200]  }
0x102: {  	v0 =	vadd.f32 v2, v0;
	_ =	sdelay $0x1  }
0x103: {  	v0 =	vadd.f32 v3, v0;
	_ =	sdelay $0x1  }
0x104: {  	v0 =	vadd.f32 v1, v0;
	_ =	sdelay $0x1  }
0x105: {  	v0 =	vmul.f32 $2.000000030e-01, v0  }
0x106: {  	s18 =	simm.s32 $0x0  }
0x107: {  	[tilespmem:s18+$0x7D80] =	vst v0  }
0x108: {  	v0 =	vld [tilespmem:s17+$0xFFFFFE10]  }
0x109: {  	v1 =	vld [tilespmem:s17+$0xFFFFFF10];
	_ =	sdelay $0x1  }
0x10a: {  	v2 =	vld [tilespmem:s17+$0x10];
	_ =	sdelay $0x1  }
0x10b: {  	v3 =	vld [tilespmem:s17+$0x110]  }
0x10c: {  	v0 =	vadd.f32 v1, v0  }
0x10d: {  	v1 =	vld [tilespmem:s17+$0x210]  }
0x10e: {  	v0 =	vadd.f32 v2, v0;
	_ =	sdelay $0x1  }
0x10f: {  	v0 =	vadd.f32 v3, v0;
	_ =	sdelay $0x1  }
0x110: {  	v0 =	vadd.f32 v1, v0;
	_ =	sdelay $0x1  }
0x111: {  	v0 =	vmul.f32 $2.000000030e-01, v0;
	_ =	sdelay $0x1  }
0x112: {  	[tilespmem:s18+$0x7D90] =	vst v0  }
0x113: {  	v0 =	vld [tilespmem:s17+$0xFFFFFE20]  }
0x114: {  	v1 =	vld [tilespmem:s17+$0xFFFFFF20];
	_ =	sdelay $0x1  }
0x115: {  	v2 =	vld [tilespmem:s17+$0x20];
	_ =	sdelay $0x1  }
0x116: {  	v3 =	vld [tilespmem:s17+$0x120]  }
0x117: {  	v0 =	vadd.f32 v1, v0  }
0x118: {  	v1 =	vld [tilespmem:s17+$0x220]  }
0x119: {  	v0 =	vadd.f32 v2, v0;
	_ =	sdelay $0x1  }
0x11a: {  	v0 =	vadd.f32 v3, v0;
	_ =	sdelay $0x1  }
0x11b: {  	v0 =	vadd.f32 v1, v0;
	_ =	sdelay $0x1  }
0x11c: {  	v0 =	vmul.f32 $2.000000030e-01, v0;
	_ =	sdelay $0x1  }
0x11d: {  	[tilespmem:s18+$0x7DA0] =	vst v0  }
0x11e: {  	v0 =	vld [tilespmem:s17+$0xFFFFFE30]  }
0x11f: {  	v1 =	vld [tilespmem:s17+$0xFFFFFF30];
	_ =	sdelay $0x1  }
0x120: {  	v2 =	vld [tilespmem:s17+$0x30];
	_ =	sdelay $0x1  }
0x121: {  	v3 =	vld [tilespmem:s17+$0x130]  }
0x122: {  	v0 =	vadd.f32 v1, v0  }
0x123: {  	v1 =	vld [tilespmem:s17+$0x230]  }
0x124: {  	v0 =	vadd.f32 v2, v0;
	_ =	sdelay $0x1  }
0x125: {  	v0 =	vadd.f32 v3, v0;
	_ =	sdelay $0x1  }
0x126: {  	v0 =	vadd.f32 v1, v0;
	_ =	sdelay $0x1  }
0x127: {  	v0 =	vmul.f32 $2.000000030e-01, v0;
	_ =	sdelay $0x1  }
0x128: {  	[tilespmem:s18+$0x7DB0] =	vst v0  }
0x129: {  	v0 =	vld [tilespmem:s17+$0xFFFFFE40]  }
0x12a: {  	v1 =	vld [tilespmem:s17+$0xFFFFFF40];
	_ =	sdelay $0x1  }
0x12b: {  	v2 =	vld [tilespmem:s17+$0x40];
	_ =	sdelay $0x1  }
0x12c: {  	v3 =	vld [tilespmem:s17+$0x140]  }
0x12d: {  	v0 =	vadd.f32 v1, v0  }
0x12e: {  	v1 =	vld [tilespmem:s17+$0x240]  }
0x12f: {  	v0 =	vadd.f32 v2, v0;
	_ =	sdelay $0x1  }
0x130: {  	v0 =	vadd.f32 v3, v0;
	_ =	sdelay $0x1  }
0x131: {  	v0 =	vadd.f32 v1, v0;
	_ =	sdelay $0x1  }
0x132: {  	v0 =	vmul.f32 $2.000000030e-01, v0;
	_ =	sdelay $0x1  }
0x133: {  	[tilespmem:s18+$0x7DC0] =	vst v0  }
0x134: {  	v0 =	vld [tilespmem:s17+$0xFFFFFE50]  }
0x135: {  	v1 =	vld [tilespmem:s17+$0xFFFFFF50];
	_ =	sdelay $0x1  }
0x136: {  	v2 =	vld [tilespmem:s17+$0x50];
	_ =	sdelay $0x1  }
0x137: {  	v3 =	vld [tilespmem:s17+$0x150]  }
0x138: {  	v0 =	vadd.f32 v1, v0  }
0x139: {  	v1 =	vld [tilespmem:s17+$0x250]  }
0x13a: {  	v0 =	vadd.f32 v2, v0;
	_ =	sdelay $0x1  }
0x13b: {  	v0 =	vadd.f32 v3, v0;
	_ =	sdelay $0x1  }
0x13c: {  	v0 =	vadd.f32 v1, v0;
	_ =	sdelay $0x1  }
0x13d: {  	v0 =	vmul.f32 $2.000000030e-01, v0;
	_ =	sdelay $0x1  }
0x13e: {  	[tilespmem:s18+$0x7DD0] =	vst v0  }
0x13f: {  	v0 =	vld [tilespmem:s17+$0xFFFFFE60]  }
0x140: {  	v1 =	vld [tilespmem:s17+$0xFFFFFF60];
	_ =	sdelay $0x1  }
0x141: {  	v2 =	vld [tilespmem:s17+$0x60];
	_ =	sdelay $0x1  }
0x142: {  	v3 =	vld [tilespmem:s17+$0x160]  }
0x143: {  	v0 =	vadd.f32 v1, v0  }
0x144: {  	v1 =	vld [tilespmem:s17+$0x260]  }
0x145: {  	v0 =	vadd.f32 v2, v0;
	_ =	sdelay $0x1  }
0x146: {  	v0 =	vadd.f32 v3, v0;
	_ =	sdelay $0x1  }
0x147: {  	v0 =	vadd.f32 v1, v0;
	_ =	sdelay $0x1  }
0x148: {  	v0 =	vmul.f32 $2.000000030e-01, v0;
	_ =	sdelay $0x1  }
0x149: {  	[tilespmem:s18+$0x7DE0] =	vst v0  }
0x14a: {  	v3 =	vld [tilespmem:s17+$0xFFFFFE70]  }
0x14b: {  	v4 =	vld [tilespmem:s17+$0xFFFFFF70];
	_ =	sdelay $0x1  }
0x14c: {  	v2 =	vld [tilespmem:s17+$0x70];
	_ =	sdelay $0x1  }
0x14d: {  	v0 =	vld [tilespmem:s17+$0x170]  }
0x14e: {  	s15 =	sadd.s32 $0x1, s15;
	s19 =	simm.s32 $0x400;
	v1 =	vld [tilespmem:s17+$0x270];
	v3 =	vadd.f32 v4, v3  }
.LBB2_17:
0x14f: {  	p0 =	sne.s32 s19, $0x6000  }
0x150: {  	s17 =	sadd.s32 $0x500, s17;
	s20 =	smov.u32 s19;
	s19 =	sadd.s32 $0x400, s19;
	v2 =	vadd.f32 v2, v3  }
0x151: {  	_ = 	snop  }
0x152: {  	v0 =	vadd.f32 v0, v2;
	_ =	sdelay $0x1  }
0x153: {  	v0 =	vadd.f32 v1, v0;
	_ =	sdelay $0x1  }
0x154: {  	v0 =	vmul.f32 $2.000000030e-01, v0;
	_ =	sdelay $0x1  }
0x155: {  	[tilespmem:s18+$0x7DF0] =	vst v0  }
0x156: {  	v0 =	vld [tilespmem:s17+$0xFFFFFF00]  }
0x157: {  	v1 =	vld [tilespmem:s17+$0xFFFFFE00]  }
0x158: {  	v2 =	vld [tilespmem:s17+$0x0];
	_ =	sdelay $0x2  }
0x159: {  	v3 =	vld [tilespmem:s17+$0x100]  }
0x15a: {  	v0 =	vadd.f32 v0, v1  }
0x15b: {  	v1 =	vld [tilespmem:s17+$0x200]  }
0x15c: {  	v0 =	vadd.f32 v2, v0;
	_ =	sdelay $0x1  }
0x15d: {  	v0 =	vadd.f32 v3, v0;
	_ =	sdelay $0x1  }
0x15e: {  	v0 =	vadd.f32 v1, v0;
	_ =	sdelay $0x1  }
0x15f: {  	v0 =	vmul.f32 $2.000000030e-01, v0  }
0x160: {  	s18 =	sshra.s32 s20, $0x2  }
0x161: {  	[tilespmem:s18+$0x7D80] =	vst v0  }
0x162: {  	v0 =	vld [tilespmem:s17+$0xFFFFFE10]  }
0x163: {  	v1 =	vld [tilespmem:s17+$0xFFFFFF10];
	_ =	sdelay $0x1  }
0x164: {  	v2 =	vld [tilespmem:s17+$0x10];
	_ =	sdelay $0x1  }
0x165: {  	v3 =	vld [tilespmem:s17+$0x110]  }
0x166: {  	v0 =	vadd.f32 v1, v0  }
0x167: {  	v1 =	vld [tilespmem:s17+$0x210]  }
0x168: {  	v0 =	vadd.f32 v2, v0;
	_ =	sdelay $0x1  }
0x169: {  	v0 =	vadd.f32 v3, v0;
	_ =	sdelay $0x1  }
0x16a: {  	v0 =	vadd.f32 v1, v0;
	_ =	sdelay $0x1  }
0x16b: {  	v0 =	vmul.f32 $2.000000030e-01, v0;
	_ =	sdelay $0x1  }
0x16c: {  	[tilespmem:s18+$0x7D90] =	vst v0  }
0x16d: {  	v0 =	vld [tilespmem:s17+$0xFFFFFE20]  }
0x16e: {  	v1 =	vld [tilespmem:s17+$0xFFFFFF20];
	_ =	sdelay $0x1  }
0x16f: {  	v2 =	vld [tilespmem:s17+$0x20];
	_ =	sdelay $0x1  }
0x170: {  	v3 =	vld [tilespmem:s17+$0x120]  }
0x171: {  	v0 =	vadd.f32 v1, v0  }
0x172: {  	v1 =	vld [tilespmem:s17+$0x220]  }
0x173: {  	v0 =	vadd.f32 v2, v0;
	_ =	sdelay $0x1  }
0x174: {  	v0 =	vadd.f32 v3, v0;
	_ =	sdelay $0x1  }
0x175: {  	v0 =	vadd.f32 v1, v0;
	_ =	sdelay $0x1  }
0x176: {  	v0 =	vmul.f32 $2.000000030e-01, v0;
	_ =	sdelay $0x1  }
0x177: {  	[tilespmem:s18+$0x7DA0] =	vst v0  }
0x178: {  	v0 =	vld [tilespmem:s17+$0xFFFFFE30]  }
0x179: {  	v1 =	vld [tilespmem:s17+$0xFFFFFF30]  }
0x17a: {  	v2 =	vld [tilespmem:s17+$0x30];
	_ =	sdelay $0x2  }
0x17b: {  	v3 =	vld [tilespmem:s17+$0x130]  }
0x17c: {  	v0 =	vadd.f32 v1, v0  }
0x17d: {  	v1 =	vld [tilespmem:s17+$0x230]  }
0x17e: {  	v0 =	vadd.f32 v2, v0;
	_ =	sdelay $0x1  }
0x17f: {  	v0 =	vadd.f32 v3, v0;
	_ =	sdelay $0x1  }
0x180: {  	v0 =	vadd.f32 v1, v0;
	_ =	sdelay $0x1  }
0x181: {  	v0 =	vmul.f32 $2.000000030e-01, v0;
	_ =	sdelay $0x1  }
0x182: {  	[tilespmem:s18+$0x7DB0] =	vst v0  }
0x183: {  	v0 =	vld [tilespmem:s17+$0xFFFFFE40]  }
0x184: {  	v1 =	vld [tilespmem:s17+$0xFFFFFF40]  }
0x185: {  	v2 =	vld [tilespmem:s17+$0x40];
	_ =	sdelay $0x2  }
0x186: {  	v3 =	vld [tilespmem:s17+$0x140]  }
0x187: {  	v0 =	vadd.f32 v1, v0  }
0x188: {  	v1 =	vld [tilespmem:s17+$0x240]  }
0x189: {  	v0 =	vadd.f32 v2, v0;
	_ =	sdelay $0x1  }
0x18a: {  	v0 =	vadd.f32 v3, v0;
	_ =	sdelay $0x1  }
0x18b: {  	v0 =	vadd.f32 v1, v0;
	_ =	sdelay $0x1  }
0x18c: {  	v0 =	vmul.f32 $2.000000030e-01, v0;
	_ =	sdelay $0x1  }
0x18d: {  	[tilespmem:s18+$0x7DC0] =	vst v0  }
0x18e: {  	v0 =	vld [tilespmem:s17+$0xFFFFFE50]  }
0x18f: {  	v1 =	vld [tilespmem:s17+$0xFFFFFF50]  }
0x190: {  	v2 =	vld [tilespmem:s17+$0x50]  }
0x191: {  	v3 =	vld [tilespmem:s17+$0x150]  }
0x192: {  	v4 =	vld [tilespmem:s17+$0x250];
	_ =	sdelay $0x1  }
0x193: {  	v0 =	vadd.f32 v1, v0;
	_ =	sdelay $0x1  }
0x194: {  	v0 =	vadd.f32 v2, v0;
	_ =	sdelay $0x1  }
0x195: {  	v0 =	vadd.f32 v3, v0;
	_ =	sdelay $0x1  }
0x196: {  	v0 =	vadd.f32 v4, v0;
	_ =	sdelay $0x1  }
0x197: {  	v0 =	vmul.f32 $2.000000030e-01, v0;
	_ =	sdelay $0x1  }
0x198: {  	[tilespmem:s18+$0x7DD0] =	vst v0  }
0x199: {  	v0 =	vld [tilespmem:s17+$0xFFFFFE60]  }
0x19a: {  	v1 =	vld [tilespmem:s17+$0xFFFFFF60]  }
0x19b: {  	v2 =	vld [tilespmem:s17+$0x60]  }
0x19c: {  	v3 =	vld [tilespmem:s17+$0x160]  }
0x19d: {  	v4 =	vld [tilespmem:s17+$0x260];
	_ =	sdelay $0x1  }
0x19e: {  	v0 =	vadd.f32 v1, v0;
	_ =	sdelay $0x1  }
0x19f: {  	v0 =	vadd.f32 v2, v0;
	_ =	sdelay $0x1  }
0x1a0: {  	v0 =	vadd.f32 v3, v0;
	_ =	sdelay $0x1  }
0x1a1: {  	v0 =	vadd.f32 v4, v0;
	_ =	sdelay $0x1  }
0x1a2: {  	v0 =	vmul.f32 $2.000000030e-01, v0;
	_ =	sdelay $0x1  }
0x1a3: {  	[tilespmem:s18+$0x7DE0] =	vst v0  }
0x1a4: {  	v3 =	vld [tilespmem:s17+$0xFFFFFE70]  }
0x1a5: {  	v4 =	vld [tilespmem:s17+$0xFFFFFF70]  }
.Ltmp8:
0x1a6: {  	v2 =	vld [tilespmem:s17+$0x70];
	(pc) =	sbr.rel @p0 .LBB2_17-.Ltmp8, $3  }
0x1a7: {  	v0 =	vld [tilespmem:s17+$0x170]  }
0x1a8: {  	v1 =	vld [tilespmem:s17+$0x270];
	_ =	sdelay $0x1  }
0x1a9: {  	v3 =	vadd.f32 v4, v3  }
0x1aa: {  	_ = 	snop  }
0x1ab: {  	v2 =	vadd.f32 v2, v3;
	_ =	sdelay $0x1  }
0x1ac: {  	v0 =	vadd.f32 v0, v2  }
0x1ad: {  	s16 =	smul.u32 $0xC80, s16  }
0x1ae: {  	v0 =	vadd.f32 v1, v0  }
0x1af: {  	s16 =	sadd.s32 s6, s16  }
0x1b0: {  	s16 =	sshrl.u32 s16, $0x3;
	v0 =	vmul.f32 $2.000000030e-01, v0  }
0x1b1: {  	s17 =	simm.s32 $0x7D80;
	s16 =	sadd.s32 s5, s16  }
0x1b2: {  	s19 =	simm.s32 $0x7E80;
	s20 =	sadd.s32 $0x0, s16;
	[tilespmem:s18+$0x7DF0] =	vst v0;
	s18 =	simm.s32 $0x10  }
.LBB2_19:
0x1b3: {  	[hbm4b:s20+s3] =	stream.linear.scatter [tilespmem:s17], [sflag:$0x4], $0x80, $0x38;
	[tilespmem:$0x9600] =	vst v63  }
0x1b4: {  	s20 =	smov.u32 s18;
	s17 =	smov.u32 s19;
	p0 =	seq.s32 s18, $0x180  }
.Ltmp9:
0x1b5: {  	s18 =	sadd.s32 $0x10, s18;
	(pc) =	sbr.rel @!p0 .LBB2_19-.Ltmp9, $2  }
0x1b6: {  	_ =	sdelay $0x2  }
0x1b7: {  	s19 =	sadd.s32 $0x100, s19;
	s20 =	sadd.s32 s20, s16  }
0x1b8: {  	[hbm4b:s20+s3] =	stream.linear.scatter [tilespmem:s17], [sflag:$0x4], $0x80, $0x38;
	[tilespmem:$0x9600] =	vst v63  }
0x1b9: {  	p0 =	seq.s32 s15, $0x5  }
.Ltmp10:
0x1ba: {  	_ = 	snop;
	(pc) =	sbr.rel @!p0 .LBB2_4-.Ltmp10, $1  }
0x1bb: {  	_ =	sdelay $0x3  }
0x1bc: {  	s14 =	sadd.s32 $0x1, s14  }
0x1bd: {  	_ =	swait.ge [sflag:s13], $0xC80;
	p0 =	sne.s32 s14, s9  }
.Ltmp11:
0x1be: {  	[sflag:s13] =	ssyncset.done $0x0;
	(pc) =	sbr.rel @p0 .LBB2_1-.Ltmp11, $4  }
0x1bf: {  	[sflag:s13] =	ssyncadd.s32 $0xFFFFF380  }
0x1c0: {  	_ =	swait.ge [sflag:s12], $0xC80  }
0x1c1: {  	[sflag:s12] =	ssyncset.done $0x0  }
0x1c2: {  	[sflag:s12] =	ssyncadd.s32 $0xFFFFF380  }
0x1c3: {  	_ =	sfence.sel $0x180000  }
0x1c4: {  	[bflag:$0x0] =	sbarrier.arrive $0xFFFF  }
0x1c5: {  	p0 =	sne.s32 s0, $0x0;
	_ =	strace $0x90000047  }
0x1c6: {  	s0 =	sadd.s32 @!p0 $0x100000, s1;
	[bflag:$0x2] =	sbarrier.arrive $0xFFFF  }
0x1c7: {  	[sflag:s0] =	ssyncadd.tile.s32 @!p0 $0x1;
	_ =	shalt  }
.Lfunc_end2:
_tile_overlayer_lowered:
.L_overlay_start_2:
0x1c8: {  	(tag) =	ssettag $0x2  }
0x1c9: {  	s0 =	rddreg [dreg:$0x0];
	s2 =	stileid.u32  }
0x1ca: {  	s1 =	rddreg [dreg:$0x1];
	p0 =	sne.s32 s2, $0x0  }
0x1cb: {  	s3 =	rddreg [dreg:$0x2];
	[bflag:$0x3] =	sbarrier.arrive $0xFFFF;
	s2 =	simm.s32 @!p0 $0x1C05  }
0x1cc: {  	[timem:s3], [sflag:s2] =	dma.local @!p0 [hbm:s0], s1  }
0x1cd: {  	s0 =	simm.s32 @!p0 $0x5  }
0x1ce: {  	_ =	swait.ge @!p0 [sflag:s0], s1  }
0x1cf: {  	s1 =	ssub.s32 @!p0 $0x0, s1;
	[sflag:s0] =	ssyncset.done @!p0 $0x0  }
0x1d0: {  	[sflag:s0] =	ssyncadd.s32 @!p0 s1  }
0x1d1: {  	[bflag:$0x3] =	sbarrier.arrive $0xFFFF  }
0x1d2: {  	_ =	shalt  }

</sc_bundles>
